<compile_context>
chip_gen: v7x
topology: tpu7x:2x2x1
jax: 0.10.2.dev20260603
libtpu: 0.0.44.dev20260713+nightly
codegen_flags: <defaults>
</compile_context>

<pallas_src>
import functools

import jax
import jax.numpy as jnp
from jax import lax
from jax.experimental import pallas as pl
from jax.experimental.pallas import tpu as pltpu
from jax.experimental.pallas import tpu_sc as plsc

N_NODES_C = 10000
E_C = 320000
EMB_C = 128
RBF_PAD = 8


_EDGE_BLK = 8000


def _edge_kernel(rbf_ref, m_ref, wrbf_ref, tmp_ref):
    p = jnp.dot(rbf_ref[...], wrbf_ref[...],
                preferred_element_type=jnp.float32)
    tmp_ref[...] = m_ref[...] * p


def _edge_stage(rbf_p, m, wrbf_t):
    e = m.shape[0]
    return pl.pallas_call(
        _edge_kernel,
        grid=(e // _EDGE_BLK,),
        in_specs=[
            pl.BlockSpec((_EDGE_BLK, RBF_PAD), lambda i: (i, 0)),
            pl.BlockSpec((_EDGE_BLK, EMB_C), lambda i: (i, 0)),
            pl.BlockSpec((RBF_PAD, EMB_C), lambda i: (0, 0)),
        ],
        out_specs=pl.BlockSpec((_EDGE_BLK, EMB_C), lambda i: (i, 0)),
        out_shape=jax.ShapeDtypeStruct((e, EMB_C), jnp.float32),
    )(rbf_p, m, wrbf_t)



_CHUNK = 80
_N_CORES = 2
_N_SUB = 16
_E_PER_SUB = E_C // (_N_CORES * _N_SUB)
_N_CHUNKS = _E_PER_SUB // _CHUNK
_N_PAD = 10240
_ROWS_PER_SUB = _N_PAD // _N_SUB


def _make_seg_kernel():
    mesh = plsc.VectorSubcoreMesh(core_axis_name="c", subcore_axis_name="s")

    @functools.partial(
        pl.kernel,
        mesh=mesh,
        out_type=jax.ShapeDtypeStruct((_N_CORES, _N_PAD, EMB_C),
                                      jnp.float32),
        scratch_types=[
            pltpu.MemorySpace.VMEM_SHARED((_N_PAD, EMB_C), jnp.float32),
            pltpu.VMEM((_CHUNK, EMB_C), jnp.float32),
            pltpu.VMEM((_CHUNK, EMB_C), jnp.float32),
            pltpu.VMEM((_CHUNK, EMB_C), jnp.float32),
            pltpu.VMEM((_N_CHUNKS, 1, _CHUNK), jnp.int32),
            pltpu.SemaphoreType.DMA,
            pltpu.SemaphoreType.DMA,
            pltpu.SemaphoreType.DMA,
        ],
    )
    def seg(tmp_hbm, src3_hbm, zeros_hbm, out_hbm,
            t_sh, rows0, rows1, rows2, idx_all,
            sem0, sem1, sem2):
        c = lax.axis_index("c")
        s = lax.axis_index("s")
        wid = c * _N_SUB + s
        pltpu.sync_copy(zeros_hbm,
                        t_sh.at[pl.ds(s * _ROWS_PER_SUB, _ROWS_PER_SUB)])
        pltpu.sync_copy(src3_hbm.at[pl.ds(wid * _N_CHUNKS, _N_CHUNKS)],
                        idx_all)
        plsc.subcore_barrier()

        base0 = wid * _E_PER_SUB
        bufs = (rows0, rows1, rows2)
        sems = (sem0, sem1, sem2)
        nbuf = 3

        def load(b, j):
            return pltpu.make_async_copy(
                tmp_hbm.at[pl.ds(base0 + j * _CHUNK, _CHUNK)], bufs[b],
                sems[b])

        def scatter(b, j):
            pltpu.sync_copy(bufs[b], t_sh.at[idx_all.at[j, 0]], add=True)

        for b in range(nbuf):
            load(b, b).start()

        def body(p, carry):
            for k in range(nbuf):
                j = nbuf * p + k
                load(k, j).wait()
                scatter(k, j)
                nxt = j + nbuf

                @pl.when(nxt < _N_CHUNKS)
                def _():
                    load(k, nxt).start()
            return carry

        n_full = (_N_CHUNKS // nbuf) * nbuf
        lax.fori_loop(0, _N_CHUNKS // nbuf, body, 0)
        for k in range(_N_CHUNKS - n_full):
            load(k, n_full + k).wait()
            scatter(k, n_full + k)

        plsc.subcore_barrier()
        pltpu.sync_copy(
            t_sh.at[pl.ds(s * _ROWS_PER_SUB, _ROWS_PER_SUB)],
            out_hbm.at[c, pl.ds(s * _ROWS_PER_SUB, _ROWS_PER_SUB)])

    return seg



_NODE_BLK = 200


def _chain_kernel(t0_ref, t1_ref, wup_ref, w1_ref, b1_ref, w2_ref, b2_ref,
                  w3_ref, b3_ref, wfin_ref, out_ref, acc_ref):
    i = pl.program_id(0)
    nsteps = pl.num_programs(0)

    @pl.when(i == 0)
    def _init():
        acc_ref[...] = jnp.zeros_like(acc_ref)

    t = t0_ref[...] + t1_ref[...]
    u = jnp.dot(t, wup_ref[...], preferred_element_type=jnp.float32)
    u = jnp.dot(u, w1_ref[...], preferred_element_type=jnp.float32) + b1_ref[...]
    u = jnp.dot(u, w2_ref[...], preferred_element_type=jnp.float32) + b2_ref[...]
    u = jnp.dot(u, w3_ref[...], preferred_element_type=jnp.float32) + b3_ref[...]
    y = jnp.dot(u, wfin_ref[...], preferred_element_type=jnp.float32)
    acc_ref[...] += jnp.sum(y, axis=0, keepdims=True)

    @pl.when(i == nsteps - 1)
    def _fin():
        out_ref[...] = acc_ref[...]


def _chain_stage(tparts, wup_t, w1_t, b1r, w2_t, b2r, w3_t, b3r, wfin_t):
    emb = tparts.shape[2]
    oe = wup_t.shape[1]
    nt = wfin_t.shape[1]
    full = lambda i: (0, 0)
    return pl.pallas_call(
        _chain_kernel,
        grid=(N_NODES_C // _NODE_BLK,),
        in_specs=[
            pl.BlockSpec((_NODE_BLK, emb), lambda i: (i, 0)),
            pl.BlockSpec((_NODE_BLK, emb), lambda i: (i, 0)),
            pl.BlockSpec((emb, oe), full),
            pl.BlockSpec((oe, oe), full),
            pl.BlockSpec((1, oe), full),
            pl.BlockSpec((oe, oe), full),
            pl.BlockSpec((1, oe), full),
            pl.BlockSpec((oe, oe), full),
            pl.BlockSpec((1, oe), full),
            pl.BlockSpec((oe, nt), full),
        ],
        out_specs=pl.BlockSpec((1, nt), full),
        out_shape=jax.ShapeDtypeStruct((1, nt), jnp.float32),
        scratch_shapes=[pltpu.VMEM((1, nt), jnp.float32)],
    )(tparts[0], tparts[1],
      wup_t, w1_t, b1r, w2_t, b2r, w3_t, b3r, wfin_t)


def kernel(m, rbf, edge_index, W_rbf, W_up, W1, b1, W2, b2, W3, b3, W_final):
    nr = rbf.shape[1]
    rbf_p = jnp.pad(rbf, ((0, 0), (0, RBF_PAD - nr)))
    wrbf_t = jnp.pad(W_rbf.T, ((0, RBF_PAD - nr), (0, 0)))
    src3 = edge_index[0].reshape(E_C // _CHUNK, 1, _CHUNK)
    zeros = jnp.zeros((_ROWS_PER_SUB, EMB_C), jnp.float32)

    tmp = _edge_stage(rbf_p, m, wrbf_t)
    tparts = _make_seg_kernel()(tmp, src3, zeros)
    return _chain_stage(tparts, W_up.T, W1.T, b1.reshape(1, -1),
                        W2.T, b2.reshape(1, -1), W3.T, b3.reshape(1, -1),
                        W_final.T)

# --- scband reference (transcript-rebuilt; emitter-appended) ---
"""Pipeline reference for scband-output-ppblock-9208409883359 (READ-ONLY COPY).

The authoritative reference and input builder live on the scoring server;
editing this copy changes nothing except your own understanding.
"""

import jax, jax.numpy as jnp
import numpy as np

N_NODES = 10000
E = 320000
EMB = 128
OUT_EMB = 256
NUM_RADIAL = 6
NUM_TARGETS = 1


def _glorot(key, shape):
    fan_out, fan_in = shape
    scale = np.sqrt(2.0 / (fan_in + fan_out))
    return jax.random.normal(key, shape, dtype=jnp.float32) * scale


def setup_inputs(seed: int = 0) -> dict:
    key = jax.random.key(seed)
    ks = jax.random.split(key, 13)
    m = jax.random.normal(ks[0], (E, EMB), dtype=jnp.float32)
    rbf = jax.random.normal(ks[1], (E, NUM_RADIAL), dtype=jnp.float32)
    edge_index = jax.random.randint(ks[2], (2, E), 0, N_NODES, dtype=jnp.int32)
    W_rbf = _glorot(ks[3], (EMB, NUM_RADIAL))
    W_up = _glorot(ks[4], (OUT_EMB, EMB))
    W1 = _glorot(ks[5], (OUT_EMB, OUT_EMB))
    b1 = jnp.zeros((OUT_EMB,), dtype=jnp.float32)
    W2 = _glorot(ks[6], (OUT_EMB, OUT_EMB))
    b2 = jnp.zeros((OUT_EMB,), dtype=jnp.float32)
    W3 = _glorot(ks[7], (OUT_EMB, OUT_EMB))
    b3 = jnp.zeros((OUT_EMB,), dtype=jnp.float32)
    # NOTE: original output_init is zeros_; we use tiny random init so the
    # output is non-degenerate for numerical comparison.
    W_final = jax.random.normal(ks[8], (NUM_TARGETS, OUT_EMB), dtype=jnp.float32) * 0.01
    return {
        "m": m, "rbf": rbf, "edge_index": edge_index,
        "W_rbf": W_rbf, "W_up": W_up,
        "W1": W1, "b1": b1, "W2": W2, "b2": b2, "W3": W3, "b3": b3,
        "W_final": W_final,
    }


def reference(m, rbf, edge_index, W_rbf, W_up, W1, b1, W2, b2, W3, b3, W_final):
    # g.edata['tmp'] = m * dense_rbf(rbf)
    tmp = m * (rbf @ W_rbf.T)                        # [E, EMB]
    # dgl.reverse + update_all(copy_e, sum): scatter-add edge feats to
    # the dst of the reversed edge == src of the original edge.
    src = edge_index[0]
    t = jax.ops.segment_sum(tmp, src, num_segments=N_NODES)  # [N, EMB]
    # up_projection (no bias)
    t = t @ W_up.T                                   # [N, OUT_EMB]
    # dense layers (activation=None per default)
    t = t @ W1.T + b1
    t = t @ W2.T + b2
    t = t @ W3.T + b3
    # dense_final (no bias)
    t = t @ W_final.T                                # [N, NUM_TARGETS]
    # readout_nodes op='sum' (extensive=True), single graph -> [1, NUM_TARGETS]
    return jnp.sum(t, axis=0, keepdims=True)

if __name__ == "__main__":
    import jax
    _d = setup_inputs()
    print(jax.jit(kernel)(*tuple(_d.values())))

</pallas_src>

<mosaic_0001>
#map = affine_map<(d0, d1) -> (0, 0)>
#map1 = affine_map<(d0, d1) -> (0, 0, 0)>
module attributes {stable_mosaic.version = 14 : i64} {
  func.func @seg(%arg0: i32, %arg1: i32, %arg2: memref<320000x128xf32, #tpu.memory_space<hbm>>, %arg3: memref<4000x1x80xi32, #tpu.memory_space<hbm>>, %arg4: memref<640x128xf32, #tpu.memory_space<hbm>>, %arg5: memref<2x10240x128xf32, #tpu.memory_space<hbm>>, %arg6: memref<10240x128xf32, #tpu.memory_space<vmem_shared>>, %arg7: memref<80x128xf32, #tpu.memory_space<vmem>>, %arg8: memref<80x128xf32, #tpu.memory_space<vmem>>, %arg9: memref<80x128xf32, #tpu.memory_space<vmem>>, %arg10: memref<125x1x80xi32, #tpu.memory_space<vmem>>, %arg11: memref<!tpu.dma_semaphore, #tpu.memory_space<semaphore_mem>>, %arg12: memref<!tpu.dma_semaphore, #tpu.memory_space<semaphore_mem>>, %arg13: memref<!tpu.dma_semaphore, #tpu.memory_space<semaphore_mem>>) attributes {dimension_semantics = [#tpu.dimension_semantics<core_parallel>, #tpu.dimension_semantics<subcore_parallel>], iteration_bounds = array<i64: 2, 16>, scalar_prefetch = 0 : i64, scratch_operands = 8 : i64, tpu.core_type = #tpu.core_type<sc_vector_subcore>, window_params = [{transform_indices = #map}, {transform_indices = #map1}, {transform_indices = #map}, {transform_indices = #map1}]} {
    %mul3A = arith.constant 16 : i32
    %mul3A_0 = arith.muli %arg0, %mul3A : i32
    %add3A = arith.addi %mul3A_0, %arg1 : i32
    %mul3A_1 = arith.constant 640 : i32
    %mul3A_2 = arith.muli %arg1, %mul3A_1 : i32
    "tpu.region"() ({
      %run_scoped3A_48 = tpu.sem_alloc : memref<!tpu.dma_semaphore, #tpu.memory_space<semaphore_mem>>
      %dma_start3A_49 = arith.constant 0 : i32
      %dma_start3A_50 = tpu.memref_slice %arg6[%mul3A_2, %dma_start3A_49] : memref<10240x128xf32, #tpu.memory_space<vmem_shared>> -> memref<640x128xf32, #tpu.memory_space<vmem_shared>>
      tpu.enqueue_dma source(%arg4 : memref<640x128xf32, #tpu.memory_space<hbm>>) target(%dma_start3A_50 : memref<640x128xf32, #tpu.memory_space<vmem_shared>>) target_semaphore(%run_scoped3A_48 : memref<!tpu.dma_semaphore, #tpu.memory_space<semaphore_mem>>)
      %dma_wait3A_51 = arith.constant 0 : i32
      %dma_wait3A_52 = tpu.memref_slice %arg6[%mul3A_2, %dma_wait3A_51] : memref<10240x128xf32, #tpu.memory_space<vmem_shared>> -> memref<640x128xf32, #tpu.memory_space<vmem_shared>>
      tpu.wait_dma2 semaphore(%run_scoped3A_48 : memref<!tpu.dma_semaphore, #tpu.memory_space<semaphore_mem>>) src(%arg4 : memref<640x128xf32, #tpu.memory_space<hbm>>) dst(%dma_wait3A_52 : memref<640x128xf32, #tpu.memory_space<vmem_shared>>)
      tpu.yield
    }) : () -> ()
    %mul3A_3 = arith.constant 125 : i32
    %mul3A_4 = arith.muli %add3A, %mul3A_3 : i32
    "tpu.region"() ({
      %run_scoped3A_48 = tpu.sem_alloc : memref<!tpu.dma_semaphore, #tpu.memory_space<semaphore_mem>>
      %dma_start3A_49 = arith.constant 0 : i32
      %dma_start3A_50 = arith.constant 0 : i32
      %dma_start3A_51 = tpu.memref_slice %arg3[%mul3A_4, %dma_start3A_49, %dma_start3A_50] : memref<4000x1x80xi32, #tpu.memory_space<hbm>> -> memref<125x1x80xi32, #tpu.memory_space<hbm>>
      %dma_start3A_52 = arith.constant 0 : i32
      %dma_start3A_53 = arith.constant 0 : i32
      %dma_start3A_54 = tpu.memref_slice %arg3[%mul3A_4, %dma_start3A_52, %dma_start3A_53] : memref<4000x1x80xi32, #tpu.memory_space<hbm>> -> memref<125x1x80xi32, #tpu.memory_space<hbm>>
      tpu.enqueue_dma source(%dma_start3A_54 : memref<125x1x80xi32, #tpu.memory_space<hbm>>) target(%arg10 : memref<125x1x80xi32, #tpu.memory_space<vmem>>) target_semaphore(%run_scoped3A_48 : memref<!tpu.dma_semaphore, #tpu.memory_space<semaphore_mem>>)
      %dma_wait3A_55 = arith.constant 0 : i32
      %dma_wait3A_56 = arith.constant 0 : i32
      %dma_wait3A_57 = tpu.memref_slice %arg3[%mul3A_4, %dma_wait3A_55, %dma_wait3A_56] : memref<4000x1x80xi32, #tpu.memory_space<hbm>> -> memref<125x1x80xi32, #tpu.memory_space<hbm>>
      %dma_wait3A_58 = arith.constant 0 : i32
      %dma_wait3A_59 = arith.constant 0 : i32
      %dma_wait3A_60 = tpu.memref_slice %arg3[%mul3A_4, %dma_wait3A_58, %dma_wait3A_59] : memref<4000x1x80xi32, #tpu.memory_space<hbm>> -> memref<125x1x80xi32, #tpu.memory_space<hbm>>
      tpu.wait_dma2 semaphore(%run_scoped3A_48 : memref<!tpu.dma_semaphore, #tpu.memory_space<semaphore_mem>>) src(%dma_wait3A_60 : memref<125x1x80xi32, #tpu.memory_space<hbm>>) dst(%arg10 : memref<125x1x80xi32, #tpu.memory_space<vmem>>)
      tpu.yield
    }) : () -> ()
    %barrier3A = arith.constant 0 : index
    tpu.barrier barrier_id(%barrier3A)
    %mul3A_5 = arith.constant 10000 : i32
    %mul3A_6 = arith.muli %add3A, %mul3A_5 : i32
    %add3A_7 = arith.constant 0 : i32
    %add3A_8 = arith.addi %mul3A_6, %add3A_7 : i32
    %dma_start3A = arith.constant 0 : i32
    %dma_start3A_9 = tpu.memref_slice %arg2[%add3A_8, %dma_start3A] : memref<320000x128xf32, #tpu.memory_space<hbm>> -> memref<80x128xf32, #tpu.memory_space<hbm>>
    %dma_start3A_10 = arith.constant 0 : i32
    %dma_start3A_11 = tpu.memref_slice %arg2[%add3A_8, %dma_start3A_10] : memref<320000x128xf32, #tpu.memory_space<hbm>> -> memref<80x128xf32, #tpu.memory_space<hbm>>
    tpu.enqueue_dma source(%dma_start3A_11 : memref<80x128xf32, #tpu.memory_space<hbm>>) target(%arg7 : memref<80x128xf32, #tpu.memory_space<vmem>>) target_semaphore(%arg11 : memref<!tpu.dma_semaphore, #tpu.memory_space<semaphore_mem>>)
    %add3A_12 = arith.constant 80 : i32
    %add3A_13 = arith.addi %mul3A_6, %add3A_12 : i32
    %dma_start3A_14 = arith.constant 0 : i32
    %dma_start3A_15 = tpu.memref_slice %arg2[%add3A_13, %dma_start3A_14] : memref<320000x128xf32, #tpu.memory_space<hbm>> -> memref<80x128xf32, #tpu.memory_space<hbm>>
    %dma_start3A_16 = arith.constant 0 : i32
    %dma_start3A_17 = tpu.memref_slice %arg2[%add3A_13, %dma_start3A_16] : memref<320000x128xf32, #tpu.memory_space<hbm>> -> memref<80x128xf32, #tpu.memory_space<hbm>>
    tpu.enqueue_dma source(%dma_start3A_17 : memref<80x128xf32, #tpu.memory_space<hbm>>) target(%arg8 : memref<80x128xf32, #tpu.memory_space<vmem>>) target_semaphore(%arg12 : memref<!tpu.dma_semaphore, #tpu.memory_space<semaphore_mem>>)
    %add3A_18 = arith.constant 160 : i32
    %add3A_19 = arith.addi %mul3A_6, %add3A_18 : i32
    %dma_start3A_20 = arith.constant 0 : i32
    %dma_start3A_21 = tpu.memref_slice %arg2[%add3A_19, %dma_start3A_20] : memref<320000x128xf32, #tpu.memory_space<hbm>> -> memref<80x128xf32, #tpu.memory_space<hbm>>
    %dma_start3A_22 = arith.constant 0 : i32
    %dma_start3A_23 = tpu.memref_slice %arg2[%add3A_19, %dma_start3A_22] : memref<320000x128xf32, #tpu.memory_space<hbm>> -> memref<80x128xf32, #tpu.memory_space<hbm>>
    tpu.enqueue_dma source(%dma_start3A_23 : memref<80x128xf32, #tpu.memory_space<hbm>>) target(%arg9 : memref<80x128xf32, #tpu.memory_space<vmem>>) target_semaphore(%arg13 : memref<!tpu.dma_semaphore, #tpu.memory_space<semaphore_mem>>)
    %scan3A = arith.constant 0 : i32
    %scan3A_24 = arith.constant 0 : i32
    %scan3A_25 = arith.constant 41 : i32
    %scan3A_26 = arith.addi %scan3A_24, %scan3A_25 : i32
    %scan3A_27 = arith.constant 1 : i32
    scf.for %scan3A_48 = %scan3A_24 to %scan3A_26 step %scan3A_27  : i32 {
      %mul3A_49 = arith.constant 3 : i32
      %mul3A_50 = arith.muli %mul3A_49, %scan3A_48 : i32
      %add3A_51 = arith.constant 0 : i32
      %add3A_52 = arith.addi %mul3A_50, %add3A_51 : i32
      %mul3A_53 = arith.constant 80 : i32
      %mul3A_54 = arith.muli %add3A_52, %mul3A_53 : i32
      %add3A_55 = arith.addi %mul3A_6, %mul3A_54 : i32
      %dma_wait3A_56 = arith.constant 0 : i32
      %dma_wait3A_57 = tpu.memref_slice %arg2[%add3A_55, %dma_wait3A_56] : memref<320000x128xf32, #tpu.memory_space<hbm>> -> memref<80x128xf32, #tpu.memory_space<hbm>>
      %dma_wait3A_58 = arith.constant 0 : i32
      %dma_wait3A_59 = tpu.memref_slice %arg2[%add3A_55, %dma_wait3A_58] : memref<320000x128xf32, #tpu.memory_space<hbm>> -> memref<80x128xf32, #tpu.memory_space<hbm>>
      tpu.wait_dma2 semaphore(%arg11 : memref<!tpu.dma_semaphore, #tpu.memory_space<semaphore_mem>>) src(%dma_wait3A_59 : memref<80x128xf32, #tpu.memory_space<hbm>>) dst(%arg7 : memref<80x128xf32, #tpu.memory_space<vmem>>)
      %run_scoped3A_60 = arith.constant 0 : i32
      "tpu.region"() ({
        %run_scoped3A_103 = tpu.sem_alloc : memref<!tpu.dma_semaphore, #tpu.memory_space<semaphore_mem>>
        %dma_start3A_104 = arith.constant 0 : i32
        %dma_start3A_105 = tpu.memref_slice %arg10[%add3A_52, %run_scoped3A_60, %dma_start3A_104] : memref<125x1x80xi32, #tpu.memory_space<vmem>> -> memref<1x1x80xi32, #tpu.memory_space<vmem>>
        %dma_start3A_106 = tpu.memref_squeeze %dma_start3A_105 : memref<1x1x80xi32, #tpu.memory_space<vmem>> -> memref<80xi32, #tpu.memory_space<vmem>>
        %dma_start3A_107 = arith.constant 0 : i32
        %dma_start3A_108 = arith.constant 0 : i32
        %dma_start3A_109 = tpu.memref_slice %arg6[%dma_start3A_107, %dma_start3A_108] : memref<10240x128xf32, #tpu.memory_space<vmem_shared>> -> memref<10240x128xf32, #tpu.memory_space<vmem_shared>>
        tpu.enqueue_indirect_dma source(%arg7 : memref<80x128xf32, #tpu.memory_space<vmem>>) target(%dma_start3A_109 : memref<10240x128xf32, #tpu.memory_space<vmem_shared>>) offsets(%dma_start3A_106 : memref<80xi32, #tpu.memory_space<vmem>>) semaphore(%run_scoped3A_103 : memref<!tpu.dma_semaphore, #tpu.memory_space<semaphore_mem>>) {add = true}
        %dma_wait3A_110 = arith.constant 0 : i32
        %dma_wait3A_111 = tpu.memref_slice %arg10[%add3A_52, %run_scoped3A_60, %dma_wait3A_110] : memref<125x1x80xi32, #tpu.memory_space<vmem>> -> memref<1x1x80xi32, #tpu.memory_space<vmem>>
        %dma_wait3A_112 = tpu.memref_squeeze %dma_wait3A_111 : memref<1x1x80xi32, #tpu.memory_space<vmem>> -> memref<80xi32, #tpu.memory_space<vmem>>
        %dma_wait3A_113 = arith.constant 0 : i32
        %dma_wait3A_114 = arith.constant 0 : i32
        %dma_wait3A_115 = tpu.memref_slice %arg6[%dma_wait3A_113, %dma_wait3A_114] : memref<10240x128xf32, #tpu.memory_space<vmem_shared>> -> memref<10240x128xf32, #tpu.memory_space<vmem_shared>>
        tpu.wait_indirect_dma semaphore(%run_scoped3A_103 : memref<!tpu.dma_semaphore, #tpu.memory_space<semaphore_mem>>) src(%arg7 : memref<80x128xf32, #tpu.memory_space<vmem>>) dst(%dma_wait3A_115 : memref<10240x128xf32, #tpu.memory_space<vmem_shared>>)
        tpu.yield
      }) : () -> ()
      %add3A_61 = arith.constant 3 : i32
      %add3A_62 = arith.addi %add3A_52, %add3A_61 : i32
      %lt3A = arith.constant 125 : i32
      %lt3A_63 = arith.cmpi slt, %add3A_62, %lt3A : i32
      %convert_element_type3A = arith.extui %lt3A_63 : i1 to i32
      %cond3A = arith.constant 0 : i32
      %cond3A_64 = arith.cmpi ne, %convert_element_type3A, %cond3A : i32
      scf.if %cond3A_64 {
        %mul3A_103 = arith.constant 80 : i32
        %mul3A_104 = arith.muli %add3A_62, %mul3A_103 : i32
        %add3A_105 = arith.addi %mul3A_6, %mul3A_104 : i32
        %dma_start3A_106 = arith.constant 0 : i32
        %dma_start3A_107 = tpu.memref_slice %arg2[%add3A_105, %dma_start3A_106] : memref<320000x128xf32, #tpu.memory_space<hbm>> -> memref<80x128xf32, #tpu.memory_space<hbm>>
        %dma_start3A_108 = arith.constant 0 : i32
        %dma_start3A_109 = tpu.memref_slice %arg2[%add3A_105, %dma_start3A_108] : memref<320000x128xf32, #tpu.memory_space<hbm>> -> memref<80x128xf32, #tpu.memory_space<hbm>>
        tpu.enqueue_dma source(%dma_start3A_109 : memref<80x128xf32, #tpu.memory_space<hbm>>) target(%arg7 : memref<80x128xf32, #tpu.memory_space<vmem>>) target_semaphore(%arg11 : memref<!tpu.dma_semaphore, #tpu.memory_space<semaphore_mem>>)
      } else {
      }
      %mul3A_65 = arith.constant 3 : i32
      %mul3A_66 = arith.muli %mul3A_65, %scan3A_48 : i32
      %add3A_67 = arith.constant 1 : i32
      %add3A_68 = arith.addi %mul3A_66, %add3A_67 : i32
      %mul3A_69 = arith.constant 80 : i32
      %mul3A_70 = arith.muli %add3A_68, %mul3A_69 : i32
      %add3A_71 = arith.addi %mul3A_6, %mul3A_70 : i32
      %dma_wait3A_72 = arith.constant 0 : i32
      %dma_wait3A_73 = tpu.memref_slice %arg2[%add3A_71, %dma_wait3A_72] : memref<320000x128xf32, #tpu.memory_space<hbm>> -> memref<80x128xf32, #tpu.memory_space<hbm>>
      %dma_wait3A_74 = arith.constant 0 : i32
      %dma_wait3A_75 = tpu.memref_slice %arg2[%add3A_71, %dma_wait3A_74] : memref<320000x128xf32, #tpu.memory_space<hbm>> -> memref<80x128xf32, #tpu.memory_space<hbm>>
      tpu.wait_dma2 semaphore(%arg12 : memref<!tpu.dma_semaphore, #tpu.memory_space<semaphore_mem>>) src(%dma_wait3A_75 : memref<80x128xf32, #tpu.memory_space<hbm>>) dst(%arg8 : memref<80x128xf32, #tpu.memory_space<vmem>>)
      %run_scoped3A_76 = arith.constant 0 : i32
      "tpu.region"() ({
        %run_scoped3A_103 = tpu.sem_alloc : memref<!tpu.dma_semaphore, #tpu.memory_space<semaphore_mem>>
        %dma_start3A_104 = arith.constant 0 : i32
        %dma_start3A_105 = tpu.memref_slice %arg10[%add3A_68, %run_scoped3A_76, %dma_start3A_104] : memref<125x1x80xi32, #tpu.memory_space<vmem>> -> memref<1x1x80xi32, #tpu.memory_space<vmem>>
        %dma_start3A_106 = tpu.memref_squeeze %dma_start3A_105 : memref<1x1x80xi32, #tpu.memory_space<vmem>> -> memref<80xi32, #tpu.memory_space<vmem>>
        %dma_start3A_107 = arith.constant 0 : i32
        %dma_start3A_108 = arith.constant 0 : i32
        %dma_start3A_109 = tpu.memref_slice %arg6[%dma_start3A_107, %dma_start3A_108] : memref<10240x128xf32, #tpu.memory_space<vmem_shared>> -> memref<10240x128xf32, #tpu.memory_space<vmem_shared>>
        tpu.enqueue_indirect_dma source(%arg8 : memref<80x128xf32, #tpu.memory_space<vmem>>) target(%dma_start3A_109 : memref<10240x128xf32, #tpu.memory_space<vmem_shared>>) offsets(%dma_start3A_106 : memref<80xi32, #tpu.memory_space<vmem>>) semaphore(%run_scoped3A_103 : memref<!tpu.dma_semaphore, #tpu.memory_space<semaphore_mem>>) {add = true}
        %dma_wait3A_110 = arith.constant 0 : i32
        %dma_wait3A_111 = tpu.memref_slice %arg10[%add3A_68, %run_scoped3A_76, %dma_wait3A_110] : memref<125x1x80xi32, #tpu.memory_space<vmem>> -> memref<1x1x80xi32, #tpu.memory_space<vmem>>
        %dma_wait3A_112 = tpu.memref_squeeze %dma_wait3A_111 : memref<1x1x80xi32, #tpu.memory_space<vmem>> -> memref<80xi32, #tpu.memory_space<vmem>>
        %dma_wait3A_113 = arith.constant 0 : i32
        %dma_wait3A_114 = arith.constant 0 : i32
        %dma_wait3A_115 = tpu.memref_slice %arg6[%dma_wait3A_113, %dma_wait3A_114] : memref<10240x128xf32, #tpu.memory_space<vmem_shared>> -> memref<10240x128xf32, #tpu.memory_space<vmem_shared>>
        tpu.wait_indirect_dma semaphore(%run_scoped3A_103 : memref<!tpu.dma_semaphore, #tpu.memory_space<semaphore_mem>>) src(%arg8 : memref<80x128xf32, #tpu.memory_space<vmem>>) dst(%dma_wait3A_115 : memref<10240x128xf32, #tpu.memory_space<vmem_shared>>)
        tpu.yield
      }) : () -> ()
      %add3A_77 = arith.constant 3 : i32
      %add3A_78 = arith.addi %add3A_68, %add3A_77 : i32
      %lt3A_79 = arith.constant 125 : i32
      %lt3A_80 = arith.cmpi slt, %add3A_78, %lt3A_79 : i32
      %convert_element_type3A_81 = arith.extui %lt3A_80 : i1 to i32
      %cond3A_82 = arith.constant 0 : i32
      %cond3A_83 = arith.cmpi ne, %convert_element_type3A_81, %cond3A_82 : i32
      scf.if %cond3A_83 {
        %mul3A_103 = arith.constant 80 : i32
        %mul3A_104 = arith.muli %add3A_78, %mul3A_103 : i32
        %add3A_105 = arith.addi %mul3A_6, %mul3A_104 : i32
        %dma_start3A_106 = arith.constant 0 : i32
        %dma_start3A_107 = tpu.memref_slice %arg2[%add3A_105, %dma_start3A_106] : memref<320000x128xf32, #tpu.memory_space<hbm>> -> memref<80x128xf32, #tpu.memory_space<hbm>>
        %dma_start3A_108 = arith.constant 0 : i32
        %dma_start3A_109 = tpu.memref_slice %arg2[%add3A_105, %dma_start3A_108] : memref<320000x128xf32, #tpu.memory_space<hbm>> -> memref<80x128xf32, #tpu.memory_space<hbm>>
        tpu.enqueue_dma source(%dma_start3A_109 : memref<80x128xf32, #tpu.memory_space<hbm>>) target(%arg8 : memref<80x128xf32, #tpu.memory_space<vmem>>) target_semaphore(%arg12 : memref<!tpu.dma_semaphore, #tpu.memory_space<semaphore_mem>>)
      } else {
      }
      %mul3A_84 = arith.constant 3 : i32
      %mul3A_85 = arith.muli %mul3A_84, %scan3A_48 : i32
      %add3A_86 = arith.constant 2 : i32
      %add3A_87 = arith.addi %mul3A_85, %add3A_86 : i32
      %mul3A_88 = arith.constant 80 : i32
      %mul3A_89 = arith.muli %add3A_87, %mul3A_88 : i32
      %add3A_90 = arith.addi %mul3A_6, %mul3A_89 : i32
      %dma_wait3A_91 = arith.constant 0 : i32
      %dma_wait3A_92 = tpu.memref_slice %arg2[%add3A_90, %dma_wait3A_91] : memref<320000x128xf32, #tpu.memory_space<hbm>> -> memref<80x128xf32, #tpu.memory_space<hbm>>
      %dma_wait3A_93 = arith.constant 0 : i32
      %dma_wait3A_94 = tpu.memref_slice %arg2[%add3A_90, %dma_wait3A_93] : memref<320000x128xf32, #tpu.memory_space<hbm>> -> memref<80x128xf32, #tpu.memory_space<hbm>>
      tpu.wait_dma2 semaphore(%arg13 : memref<!tpu.dma_semaphore, #tpu.memory_space<semaphore_mem>>) src(%dma_wait3A_94 : memref<80x128xf32, #tpu.memory_space<hbm>>) dst(%arg9 : memref<80x128xf32, #tpu.memory_space<vmem>>)
      %run_scoped3A_95 = arith.constant 0 : i32
      "tpu.region"() ({
        %run_scoped3A_103 = tpu.sem_alloc : memref<!tpu.dma_semaphore, #tpu.memory_space<semaphore_mem>>
        %dma_start3A_104 = arith.constant 0 : i32
        %dma_start3A_105 = tpu.memref_slice %arg10[%add3A_87, %run_scoped3A_95, %dma_start3A_104] : memref<125x1x80xi32, #tpu.memory_space<vmem>> -> memref<1x1x80xi32, #tpu.memory_space<vmem>>
        %dma_start3A_106 = tpu.memref_squeeze %dma_start3A_105 : memref<1x1x80xi32, #tpu.memory_space<vmem>> -> memref<80xi32, #tpu.memory_space<vmem>>
        %dma_start3A_107 = arith.constant 0 : i32
        %dma_start3A_108 = arith.constant 0 : i32
        %dma_start3A_109 = tpu.memref_slice %arg6[%dma_start3A_107, %dma_start3A_108] : memref<10240x128xf32, #tpu.memory_space<vmem_shared>> -> memref<10240x128xf32, #tpu.memory_space<vmem_shared>>
        tpu.enqueue_indirect_dma source(%arg9 : memref<80x128xf32, #tpu.memory_space<vmem>>) target(%dma_start3A_109 : memref<10240x128xf32, #tpu.memory_space<vmem_shared>>) offsets(%dma_start3A_106 : memref<80xi32, #tpu.memory_space<vmem>>) semaphore(%run_scoped3A_103 : memref<!tpu.dma_semaphore, #tpu.memory_space<semaphore_mem>>) {add = true}
        %dma_wait3A_110 = arith.constant 0 : i32
        %dma_wait3A_111 = tpu.memref_slice %arg10[%add3A_87, %run_scoped3A_95, %dma_wait3A_110] : memref<125x1x80xi32, #tpu.memory_space<vmem>> -> memref<1x1x80xi32, #tpu.memory_space<vmem>>
        %dma_wait3A_112 = tpu.memref_squeeze %dma_wait3A_111 : memref<1x1x80xi32, #tpu.memory_space<vmem>> -> memref<80xi32, #tpu.memory_space<vmem>>
        %dma_wait3A_113 = arith.constant 0 : i32
        %dma_wait3A_114 = arith.constant 0 : i32
        %dma_wait3A_115 = tpu.memref_slice %arg6[%dma_wait3A_113, %dma_wait3A_114] : memref<10240x128xf32, #tpu.memory_space<vmem_shared>> -> memref<10240x128xf32, #tpu.memory_space<vmem_shared>>
        tpu.wait_indirect_dma semaphore(%run_scoped3A_103 : memref<!tpu.dma_semaphore, #tpu.memory_space<semaphore_mem>>) src(%arg9 : memref<80x128xf32, #tpu.memory_space<vmem>>) dst(%dma_wait3A_115 : memref<10240x128xf32, #tpu.memory_space<vmem_shared>>)
        tpu.yield
      }) : () -> ()
      %add3A_96 = arith.constant 3 : i32
      %add3A_97 = arith.addi %add3A_87, %add3A_96 : i32
      %lt3A_98 = arith.constant 125 : i32
      %lt3A_99 = arith.cmpi slt, %add3A_97, %lt3A_98 : i32
      %convert_element_type3A_100 = arith.extui %lt3A_99 : i1 to i32
      %cond3A_101 = arith.constant 0 : i32
      %cond3A_102 = arith.cmpi ne, %convert_element_type3A_100, %cond3A_101 : i32
      scf.if %cond3A_102 {
        %mul3A_103 = arith.constant 80 : i32
        %mul3A_104 = arith.muli %add3A_97, %mul3A_103 : i32
        %add3A_105 = arith.addi %mul3A_6, %mul3A_104 : i32
        %dma_start3A_106 = arith.constant 0 : i32
        %dma_start3A_107 = tpu.memref_slice %arg2[%add3A_105, %dma_start3A_106] : memref<320000x128xf32, #tpu.memory_space<hbm>> -> memref<80x128xf32, #tpu.memory_space<hbm>>
        %dma_start3A_108 = arith.constant 0 : i32
        %dma_start3A_109 = tpu.memref_slice %arg2[%add3A_105, %dma_start3A_108] : memref<320000x128xf32, #tpu.memory_space<hbm>> -> memref<80x128xf32, #tpu.memory_space<hbm>>
        tpu.enqueue_dma source(%dma_start3A_109 : memref<80x128xf32, #tpu.memory_space<hbm>>) target(%arg9 : memref<80x128xf32, #tpu.memory_space<vmem>>) target_semaphore(%arg13 : memref<!tpu.dma_semaphore, #tpu.memory_space<semaphore_mem>>)
      } else {
      }
    }
    %scan3A_28 = arith.constant 41 : i32
    %add3A_29 = arith.constant 9840 : i32
    %add3A_30 = arith.addi %mul3A_6, %add3A_29 : i32
    %dma_wait3A = arith.constant 0 : i32
    %dma_wait3A_31 = tpu.memref_slice %arg2[%add3A_30, %dma_wait3A] : memref<320000x128xf32, #tpu.memory_space<hbm>> -> memref<80x128xf32, #tpu.memory_space<hbm>>
    %dma_wait3A_32 = arith.constant 0 : i32
    %dma_wait3A_33 = tpu.memref_slice %arg2[%add3A_30, %dma_wait3A_32] : memref<320000x128xf32, #tpu.memory_space<hbm>> -> memref<80x128xf32, #tpu.memory_space<hbm>>
    tpu.wait_dma2 semaphore(%arg11 : memref<!tpu.dma_semaphore, #tpu.memory_space<semaphore_mem>>) src(%dma_wait3A_33 : memref<80x128xf32, #tpu.memory_space<hbm>>) dst(%arg7 : memref<80x128xf32, #tpu.memory_space<vmem>>)
    %run_scoped3A = arith.constant 123 : i32
    %run_scoped3A_34 = arith.constant 0 : i32
    "tpu.region"() ({
      %run_scoped3A_48 = tpu.sem_alloc : memref<!tpu.dma_semaphore, #tpu.memory_space<semaphore_mem>>
      %dma_start3A_49 = arith.constant 0 : i32
      %dma_start3A_50 = tpu.memref_slice %arg10[%run_scoped3A, %run_scoped3A_34, %dma_start3A_49] : memref<125x1x80xi32, #tpu.memory_space<vmem>> -> memref<1x1x80xi32, #tpu.memory_space<vmem>>
      %dma_start3A_51 = tpu.memref_squeeze %dma_start3A_50 : memref<1x1x80xi32, #tpu.memory_space<vmem>> -> memref<80xi32, #tpu.memory_space<vmem>>
      %dma_start3A_52 = arith.constant 0 : i32
      %dma_start3A_53 = arith.constant 0 : i32
      %dma_start3A_54 = tpu.memref_slice %arg6[%dma_start3A_52, %dma_start3A_53] : memref<10240x128xf32, #tpu.memory_space<vmem_shared>> -> memref<10240x128xf32, #tpu.memory_space<vmem_shared>>
      tpu.enqueue_indirect_dma source(%arg7 : memref<80x128xf32, #tpu.memory_space<vmem>>) target(%dma_start3A_54 : memref<10240x128xf32, #tpu.memory_space<vmem_shared>>) offsets(%dma_start3A_51 : memref<80xi32, #tpu.memory_space<vmem>>) semaphore(%run_scoped3A_48 : memref<!tpu.dma_semaphore, #tpu.memory_space<semaphore_mem>>) {add = true}
      %dma_wait3A_55 = arith.constant 0 : i32
      %dma_wait3A_56 = tpu.memref_slice %arg10[%run_scoped3A, %run_scoped3A_34, %dma_wait3A_55] : memref<125x1x80xi32, #tpu.memory_space<vmem>> -> memref<1x1x80xi32, #tpu.memory_space<vmem>>
      %dma_wait3A_57 = tpu.memref_squeeze %dma_wait3A_56 : memref<1x1x80xi32, #tpu.memory_space<vmem>> -> memref<80xi32, #tpu.memory_space<vmem>>
      %dma_wait3A_58 = arith.constant 0 : i32
      %dma_wait3A_59 = arith.constant 0 : i32
      %dma_wait3A_60 = tpu.memref_slice %arg6[%dma_wait3A_58, %dma_wait3A_59] : memref<10240x128xf32, #tpu.memory_space<vmem_shared>> -> memref<10240x128xf32, #tpu.memory_space<vmem_shared>>
      tpu.wait_indirect_dma semaphore(%run_scoped3A_48 : memref<!tpu.dma_semaphore, #tpu.memory_space<semaphore_mem>>) src(%arg7 : memref<80x128xf32, #tpu.memory_space<vmem>>) dst(%dma_wait3A_60 : memref<10240x128xf32, #tpu.memory_space<vmem_shared>>)
      tpu.yield
    }) : () -> ()
    %add3A_35 = arith.constant 9920 : i32
    %add3A_36 = arith.addi %mul3A_6, %add3A_35 : i32
    %dma_wait3A_37 = arith.constant 0 : i32
    %dma_wait3A_38 = tpu.memref_slice %arg2[%add3A_36, %dma_wait3A_37] : memref<320000x128xf32, #tpu.memory_space<hbm>> -> memref<80x128xf32, #tpu.memory_space<hbm>>
    %dma_wait3A_39 = arith.constant 0 : i32
    %dma_wait3A_40 = tpu.memref_slice %arg2[%add3A_36, %dma_wait3A_39] : memref<320000x128xf32, #tpu.memory_space<hbm>> -> memref<80x128xf32, #tpu.memory_space<hbm>>
    tpu.wait_dma2 semaphore(%arg12 : memref<!tpu.dma_semaphore, #tpu.memory_space<semaphore_mem>>) src(%dma_wait3A_40 : memref<80x128xf32, #tpu.memory_space<hbm>>) dst(%arg8 : memref<80x128xf32, #tpu.memory_space<vmem>>)
    %run_scoped3A_41 = arith.constant 124 : i32
    %run_scoped3A_42 = arith.constant 0 : i32
    "tpu.region"() ({
      %run_scoped3A_48 = tpu.sem_alloc : memref<!tpu.dma_semaphore, #tpu.memory_space<semaphore_mem>>
      %dma_start3A_49 = arith.constant 0 : i32
      %dma_start3A_50 = tpu.memref_slice %arg10[%run_scoped3A_41, %run_scoped3A_42, %dma_start3A_49] : memref<125x1x80xi32, #tpu.memory_space<vmem>> -> memref<1x1x80xi32, #tpu.memory_space<vmem>>
      %dma_start3A_51 = tpu.memref_squeeze %dma_start3A_50 : memref<1x1x80xi32, #tpu.memory_space<vmem>> -> memref<80xi32, #tpu.memory_space<vmem>>
      %dma_start3A_52 = arith.constant 0 : i32
      %dma_start3A_53 = arith.constant 0 : i32
      %dma_start3A_54 = tpu.memref_slice %arg6[%dma_start3A_52, %dma_start3A_53] : memref<10240x128xf32, #tpu.memory_space<vmem_shared>> -> memref<10240x128xf32, #tpu.memory_space<vmem_shared>>
      tpu.enqueue_indirect_dma source(%arg8 : memref<80x128xf32, #tpu.memory_space<vmem>>) target(%dma_start3A_54 : memref<10240x128xf32, #tpu.memory_space<vmem_shared>>) offsets(%dma_start3A_51 : memref<80xi32, #tpu.memory_space<vmem>>) semaphore(%run_scoped3A_48 : memref<!tpu.dma_semaphore, #tpu.memory_space<semaphore_mem>>) {add = true}
      %dma_wait3A_55 = arith.constant 0 : i32
      %dma_wait3A_56 = tpu.memref_slice %arg10[%run_scoped3A_41, %run_scoped3A_42, %dma_wait3A_55] : memref<125x1x80xi32, #tpu.memory_space<vmem>> -> memref<1x1x80xi32, #tpu.memory_space<vmem>>
      %dma_wait3A_57 = tpu.memref_squeeze %dma_wait3A_56 : memref<1x1x80xi32, #tpu.memory_space<vmem>> -> memref<80xi32, #tpu.memory_space<vmem>>
      %dma_wait3A_58 = arith.constant 0 : i32
      %dma_wait3A_59 = arith.constant 0 : i32
      %dma_wait3A_60 = tpu.memref_slice %arg6[%dma_wait3A_58, %dma_wait3A_59] : memref<10240x128xf32, #tpu.memory_space<vmem_shared>> -> memref<10240x128xf32, #tpu.memory_space<vmem_shared>>
      tpu.wait_indirect_dma semaphore(%run_scoped3A_48 : memref<!tpu.dma_semaphore, #tpu.memory_space<semaphore_mem>>) src(%arg8 : memref<80x128xf32, #tpu.memory_space<vmem>>) dst(%dma_wait3A_60 : memref<10240x128xf32, #tpu.memory_space<vmem_shared>>)
      tpu.yield
    }) : () -> ()
    %barrier3A_43 = arith.constant 0 : index
    tpu.barrier barrier_id(%barrier3A_43)
    %mul3A_44 = arith.constant 640 : i32
    %mul3A_45 = arith.muli %arg1, %mul3A_44 : i32
    %mul3A_46 = arith.constant 640 : i32
    %mul3A_47 = arith.muli %arg1, %mul3A_46 : i32
    "tpu.region"() ({
      %run_scoped3A_48 = tpu.sem_alloc : memref<!tpu.dma_semaphore, #tpu.memory_space<semaphore_mem>>
      %dma_start3A_49 = arith.constant 0 : i32
      %dma_start3A_50 = tpu.memref_slice %arg5[%arg0, %mul3A_47, %dma_start3A_49] : memref<2x10240x128xf32, #tpu.memory_space<hbm>> -> memref<1x640x128xf32, #tpu.memory_space<hbm>>
      %dma_start3A_51 = tpu.memref_squeeze %dma_start3A_50 : memref<1x640x128xf32, #tpu.memory_space<hbm>> -> memref<640x128xf32, #tpu.memory_space<hbm>>
      %dma_start3A_52 = arith.constant 0 : i32
      %dma_start3A_53 = tpu.memref_slice %arg6[%mul3A_45, %dma_start3A_52] : memref<10240x128xf32, #tpu.memory_space<vmem_shared>> -> memref<640x128xf32, #tpu.memory_space<vmem_shared>>
      tpu.enqueue_dma source(%dma_start3A_53 : memref<640x128xf32, #tpu.memory_space<vmem_shared>>) target(%dma_start3A_51 : memref<640x128xf32, #tpu.memory_space<hbm>>) target_semaphore(%run_scoped3A_48 : memref<!tpu.dma_semaphore, #tpu.memory_space<semaphore_mem>>)
      %dma_wait3A_54 = arith.constant 0 : i32
      %dma_wait3A_55 = tpu.memref_slice %arg5[%arg0, %mul3A_47, %dma_wait3A_54] : memref<2x10240x128xf32, #tpu.memory_space<hbm>> -> memref<1x640x128xf32, #tpu.memory_space<hbm>>
      %dma_wait3A_56 = tpu.memref_squeeze %dma_wait3A_55 : memref<1x640x128xf32, #tpu.memory_space<hbm>> -> memref<640x128xf32, #tpu.memory_space<hbm>>
      %dma_wait3A_57 = arith.constant 0 : i32
      %dma_wait3A_58 = tpu.memref_slice %arg6[%mul3A_45, %dma_wait3A_57] : memref<10240x128xf32, #tpu.memory_space<vmem_shared>> -> memref<640x128xf32, #tpu.memory_space<vmem_shared>>
      tpu.wait_dma2 semaphore(%run_scoped3A_48 : memref<!tpu.dma_semaphore, #tpu.memory_space<semaphore_mem>>) src(%dma_wait3A_58 : memref<640x128xf32, #tpu.memory_space<vmem_shared>>) dst(%dma_wait3A_56 : memref<640x128xf32, #tpu.memory_space<hbm>>)
      tpu.yield
    }) : () -> ()
    return
  }
}

module attributes {stable_mosaic.version = 14 : i64} {
  func.func @_edge_kernel(%arg0: i32, %arg1: memref<8000x8xf32, #tpu.memory_space<vmem>>, %arg2: memref<8000x128xf32, #tpu.memory_space<vmem>>, %arg3: memref<8x128xf32, #tpu.memory_space<vmem>>, %arg4: memref<8000x128xf32, #tpu.memory_space<vmem>>) attributes {dimension_semantics = [#tpu.dimension_semantics<arbitrary>], iteration_bounds = array<i64: 40>, scalar_prefetch = 0 : i64, scratch_operands = 0 : i64, tpu.core_type = #tpu.core_type<tc>, window_params = [{transform_indices = @transform_0, window_bounds = array<i64: 8000, 8>}, {transform_indices = @transform_1, window_bounds = array<i64: 8000, 128>}, {pipeline_mode = #tpu.pipeline_mode<synchronous>, transform_indices = @transform_2, window_bounds = array<i64: 8, 128>}, {transform_indices = @transform_3, window_bounds = array<i64: 8000, 128>}]} {
    %get3A = arith.constant 0 : index
    %get3A_0 = arith.constant 0 : index
    %get3A_1 = vector.load %arg1[%get3A, %get3A_0] : memref<8000x8xf32, #tpu.memory_space<vmem>>, vector<8000x8xf32>
    %get3A_2 = arith.constant 0 : index
    %get3A_3 = arith.constant 0 : index
    %get3A_4 = vector.load %arg3[%get3A_2, %get3A_3] : memref<8x128xf32, #tpu.memory_space<vmem>>, vector<8x128xf32>
    %dot_general3A = arith.constant dense<0.000000e+00> : vector<8000x128xf32>
    %dot_general3A_5 = tpu.matmul %get3A_1, %get3A_4, %dot_general3A {dimension_numbers = #tpu.dot_dimension_numbers<[1], [0], [0], [1], [0, 0, 1, 1], [], []>, transpose_lhs_hint = false} : vector<8000x8xf32>, vector<8x128xf32>, vector<8000x128xf32> -> vector<8000x128xf32>
    %get3A_6 = arith.constant 0 : index
    %get3A_7 = arith.constant 0 : index
    %get3A_8 = vector.load %arg2[%get3A_6, %get3A_7] : memref<8000x128xf32, #tpu.memory_space<vmem>>, vector<8000x128xf32>
    %mul3A = arith.mulf %get3A_8, %dot_general3A_5 : vector<8000x128xf32>
    %swap3A = arith.constant 0 : index
    %swap3A_9 = arith.constant 0 : index
    %swap3A_10 = vector.load %arg4[%swap3A, %swap3A_9] : memref<8000x128xf32, #tpu.memory_space<vmem>>, vector<8000x128xf32>
    tpu.vector_store %arg4[%swap3A, %swap3A_9], %mul3A {strides = array<i32>} : memref<8000x128xf32, #tpu.memory_space<vmem>>, vector<8000x128xf32>,
    return
  }
  func.func @transform_0(%arg0: i32) -> (i32, i32) {
    %c0_i32 = arith.constant 0 : i32
    %c0_i32_0 = arith.constant 0 : i32
    return %arg0, %c0_i32 : i32, i32
  }
  func.func @transform_1(%arg0: i32) -> (i32, i32) {
    %c0_i32 = arith.constant 0 : i32
    %c0_i32_0 = arith.constant 0 : i32
    return %arg0, %c0_i32 : i32, i32
  }
  func.func @transform_2(%arg0: i32) -> (i32, i32) {
    %c0_i32 = arith.constant 0 : i32
    %c0_i32_0 = arith.constant 0 : i32
    %c0_i32_1 = arith.constant 0 : i32
    return %c0_i32, %c0_i32_0 : i32, i32
  }
  func.func @transform_3(%arg0: i32) -> (i32, i32) {
    %c0_i32 = arith.constant 0 : i32
    %c0_i32_0 = arith.constant 0 : i32
    return %arg0, %c0_i32 : i32, i32
  }
}

module attributes {stable_mosaic.version = 14 : i64} {
  func.func @_chain_kernel(%arg0: i32, %arg1: memref<200x128xf32, #tpu.memory_space<vmem>>, %arg2: memref<200x128xf32, #tpu.memory_space<vmem>>, %arg3: memref<128x256xf32, #tpu.memory_space<vmem>>, %arg4: memref<256x256xf32, #tpu.memory_space<vmem>>, %arg5: memref<1x256xf32, #tpu.memory_space<vmem>>, %arg6: memref<256x256xf32, #tpu.memory_space<vmem>>, %arg7: memref<1x256xf32, #tpu.memory_space<vmem>>, %arg8: memref<256x256xf32, #tpu.memory_space<vmem>>, %arg9: memref<1x256xf32, #tpu.memory_space<vmem>>, %arg10: memref<256x1xf32, #tpu.memory_space<vmem>>, %arg11: memref<1x1xf32, #tpu.memory_space<vmem>>, %arg12: memref<1x1xf32, #tpu.memory_space<vmem>>) attributes {dimension_semantics = [#tpu.dimension_semantics<arbitrary>], iteration_bounds = array<i64: 50>, scalar_prefetch = 0 : i64, scratch_operands = 1 : i64, tpu.core_type = #tpu.core_type<tc>, window_params = [{transform_indices = @transform_0, window_bounds = array<i64: 200, 128>}, {transform_indices = @transform_1, window_bounds = array<i64: 200, 128>}, {pipeline_mode = #tpu.pipeline_mode<synchronous>, transform_indices = @transform_2, window_bounds = array<i64: 128, 256>}, {pipeline_mode = #tpu.pipeline_mode<synchronous>, transform_indices = @transform_3, window_bounds = array<i64: 256, 256>}, {pipeline_mode = #tpu.pipeline_mode<synchronous>, transform_indices = @transform_4, window_bounds = array<i64: 1, 256>}, {pipeline_mode = #tpu.pipeline_mode<synchronous>, transform_indices = @transform_5, window_bounds = array<i64: 256, 256>}, {pipeline_mode = #tpu.pipeline_mode<synchronous>, transform_indices = @transform_6, window_bounds = array<i64: 1, 256>}, {pipeline_mode = #tpu.pipeline_mode<synchronous>, transform_indices = @transform_7, window_bounds = array<i64: 256, 256>}, {pipeline_mode = #tpu.pipeline_mode<synchronous>, transform_indices = @transform_8, window_bounds = array<i64: 1, 256>}, {pipeline_mode = #tpu.pipeline_mode<synchronous>, transform_indices = @transform_9, window_bounds = array<i64: 256, 1>}, {pipeline_mode = #tpu.pipeline_mode<synchronous>, transform_indices = @transform_10, window_bounds = array<i64: 1, 1>}]} {
    %eq3A = arith.constant 0 : i32
    %eq3A_0 = arith.cmpi eq, %arg0, %eq3A : i32
    %convert_element_type3A = arith.extui %eq3A_0 : i1 to i32
    %cond3A = arith.constant 0 : i32
    %cond3A_1 = arith.cmpi ne, %convert_element_type3A, %cond3A : i32
    scf.if %cond3A_1 {
      %broadcast_in_dim3A_58 = arith.constant 0.000000e+00 : f32
      %broadcast_in_dim3A_59 = vector.broadcast %broadcast_in_dim3A_58 : f32 to vector<1x1xf32>
      %swap3A_60 = arith.constant 0 : index
      %swap3A_61 = arith.constant 0 : index
      %swap3A_62 = vector.load %arg12[%swap3A_60, %swap3A_61] : memref<1x1xf32, #tpu.memory_space<vmem>>, vector<1x1xf32>
      tpu.vector_store %arg12[%swap3A_60, %swap3A_61], %broadcast_in_dim3A_59 {strides = array<i32>} : memref<1x1xf32, #tpu.memory_space<vmem>>, vector<1x1xf32>,
    } else {
    }
    %get3A = arith.constant 0 : index
    %get3A_2 = arith.constant 0 : index
    %get3A_3 = vector.load %arg1[%get3A, %get3A_2] : memref<200x128xf32, #tpu.memory_space<vmem>>, vector<200x128xf32>
    %get3A_4 = arith.constant 0 : index
    %get3A_5 = arith.constant 0 : index
    %get3A_6 = vector.load %arg2[%get3A_4, %get3A_5] : memref<200x128xf32, #tpu.memory_space<vmem>>, vector<200x128xf32>
    %add3A = arith.addf %get3A_3, %get3A_6 : vector<200x128xf32>
    %get3A_7 = arith.constant 0 : index
    %get3A_8 = arith.constant 0 : index
    %get3A_9 = vector.load %arg3[%get3A_7, %get3A_8] : memref<128x256xf32, #tpu.memory_space<vmem>>, vector<128x256xf32>
    %dot_general3A = arith.constant dense<0.000000e+00> : vector<200x256xf32>
    %dot_general3A_10 = tpu.matmul %add3A, %get3A_9, %dot_general3A {dimension_numbers = #tpu.dot_dimension_numbers<[1], [0], [0], [1], [0, 0, 1, 1], [], []>, transpose_lhs_hint = false} : vector<200x128xf32>, vector<128x256xf32>, vector<200x256xf32> -> vector<200x256xf32>
    %get3A_11 = arith.constant 0 : index
    %get3A_12 = arith.constant 0 : index
    %get3A_13 = vector.load %arg4[%get3A_11, %get3A_12] : memref<256x256xf32, #tpu.memory_space<vmem>>, vector<256x256xf32>
    %dot_general3A_14 = arith.constant dense<0.000000e+00> : vector<200x256xf32>
    %dot_general3A_15 = tpu.matmul %dot_general3A_10, %get3A_13, %dot_general3A_14 {dimension_numbers = #tpu.dot_dimension_numbers<[1], [0], [0], [1], [0, 0, 1, 1], [], []>, transpose_lhs_hint = false} : vector<200x256xf32>, vector<256x256xf32>, vector<200x256xf32> -> vector<200x256xf32>
    %get3A_16 = arith.constant 0 : index
    %get3A_17 = arith.constant 0 : index
    %get3A_18 = vector.load %arg5[%get3A_16, %get3A_17] : memref<1x256xf32, #tpu.memory_space<vmem>>, vector<1x256xf32>
    %add3A_19 = vector.broadcast %get3A_18 : vector<1x256xf32> to vector<200x256xf32>
    %add3A_20 = arith.addf %dot_general3A_15, %add3A_19 : vector<200x256xf32>
    %get3A_21 = arith.constant 0 : index
    %get3A_22 = arith.constant 0 : index
    %get3A_23 = vector.load %arg6[%get3A_21, %get3A_22] : memref<256x256xf32, #tpu.memory_space<vmem>>, vector<256x256xf32>
    %dot_general3A_24 = arith.constant dense<0.000000e+00> : vector<200x256xf32>
    %dot_general3A_25 = tpu.matmul %add3A_20, %get3A_23, %dot_general3A_24 {dimension_numbers = #tpu.dot_dimension_numbers<[1], [0], [0], [1], [0, 0, 1, 1], [], []>, transpose_lhs_hint = false} : vector<200x256xf32>, vector<256x256xf32>, vector<200x256xf32> -> vector<200x256xf32>
    %get3A_26 = arith.constant 0 : index
    %get3A_27 = arith.constant 0 : index
    %get3A_28 = vector.load %arg7[%get3A_26, %get3A_27] : memref<1x256xf32, #tpu.memory_space<vmem>>, vector<1x256xf32>
    %add3A_29 = vector.broadcast %get3A_28 : vector<1x256xf32> to vector<200x256xf32>
    %add3A_30 = arith.addf %dot_general3A_25, %add3A_29 : vector<200x256xf32>
    %get3A_31 = arith.constant 0 : index
    %get3A_32 = arith.constant 0 : index
    %get3A_33 = vector.load %arg8[%get3A_31, %get3A_32] : memref<256x256xf32, #tpu.memory_space<vmem>>, vector<256x256xf32>
    %dot_general3A_34 = arith.constant dense<0.000000e+00> : vector<200x256xf32>
    %dot_general3A_35 = tpu.matmul %add3A_30, %get3A_33, %dot_general3A_34 {dimension_numbers = #tpu.dot_dimension_numbers<[1], [0], [0], [1], [0, 0, 1, 1], [], []>, transpose_lhs_hint = false} : vector<200x256xf32>, vector<256x256xf32>, vector<200x256xf32> -> vector<200x256xf32>
    %get3A_36 = arith.constant 0 : index
    %get3A_37 = arith.constant 0 : index
    %get3A_38 = vector.load %arg9[%get3A_36, %get3A_37] : memref<1x256xf32, #tpu.memory_space<vmem>>, vector<1x256xf32>
    %add3A_39 = vector.broadcast %get3A_38 : vector<1x256xf32> to vector<200x256xf32>
    %add3A_40 = arith.addf %dot_general3A_35, %add3A_39 : vector<200x256xf32>
    %get3A_41 = arith.constant 0 : index
    %get3A_42 = arith.constant 0 : index
    %get3A_43 = vector.load %arg10[%get3A_41, %get3A_42] : memref<256x1xf32, #tpu.memory_space<vmem>>, vector<256x1xf32>
    %dot_general3A_44 = arith.constant dense<0.000000e+00> : vector<200x1xf32>
    %dot_general3A_45 = tpu.matmul %add3A_40, %get3A_43, %dot_general3A_44 {dimension_numbers = #tpu.dot_dimension_numbers<[1], [0], [0], [1], [0, 0, 1, 1], [], []>, transpose_lhs_hint = false} : vector<200x256xf32>, vector<256x1xf32>, vector<200x1xf32> -> vector<200x1xf32>
    %get3A_46 = arith.constant 0 : index
    %get3A_47 = arith.constant 0 : index
    %get3A_48 = vector.load %arg12[%get3A_46, %get3A_47] : memref<1x1xf32, #tpu.memory_space<vmem>>, vector<1x1xf32>
    %reduce_sum3A = arith.constant dense<0.000000e+00> : vector<1xf32>
    %reduce_sum3A_49 = vector.multi_reduction <add>, %dot_general3A_45, %reduce_sum3A [0] : vector<200x1xf32> to vector<1xf32>
    %broadcast_in_dim3A = vector.shape_cast %reduce_sum3A_49 : vector<1xf32> to vector<1x1xf32>
    %add3A_50 = arith.addf %get3A_48, %broadcast_in_dim3A : vector<1x1xf32>
    %swap3A = arith.constant 0 : index
    %swap3A_51 = arith.constant 0 : index
    %swap3A_52 = vector.load %arg12[%swap3A, %swap3A_51] : memref<1x1xf32, #tpu.memory_space<vmem>>, vector<1x1xf32>
    tpu.vector_store %arg12[%swap3A, %swap3A_51], %add3A_50 {strides = array<i32>} : memref<1x1xf32, #tpu.memory_space<vmem>>, vector<1x1xf32>,
    %eq3A_53 = arith.constant 49 : i32
    %eq3A_54 = arith.cmpi eq, %arg0, %eq3A_53 : i32
    %convert_element_type3A_55 = arith.extui %eq3A_54 : i1 to i32
    %cond3A_56 = arith.constant 0 : i32
    %cond3A_57 = arith.cmpi ne, %convert_element_type3A_55, %cond3A_56 : i32
    scf.if %cond3A_57 {
      %get3A_58 = arith.constant 0 : index
      %get3A_59 = arith.constant 0 : index
      %get3A_60 = vector.load %arg12[%get3A_58, %get3A_59] : memref<1x1xf32, #tpu.memory_space<vmem>>, vector<1x1xf32>
      %swap3A_61 = arith.constant 0 : index
      %swap3A_62 = arith.constant 0 : index
      %swap3A_63 = vector.load %arg11[%swap3A_61, %swap3A_62] : memref<1x1xf32, #tpu.memory_space<vmem>>, vector<1x1xf32>
      tpu.vector_store %arg11[%swap3A_61, %swap3A_62], %get3A_60 {strides = array<i32>} : memref<1x1xf32, #tpu.memory_space<vmem>>, vector<1x1xf32>,
    } else {
    }
    return
  }
  func.func @transform_0(%arg0: i32) -> (i32, i32) {
    %c0_i32 = arith.constant 0 : i32
    %c0_i32_0 = arith.constant 0 : i32
    return %arg0, %c0_i32 : i32, i32
  }
  func.func @transform_1(%arg0: i32) -> (i32, i32) {
    %c0_i32 = arith.constant 0 : i32
    %c0_i32_0 = arith.constant 0 : i32
    return %arg0, %c0_i32 : i32, i32
  }
  func.func @transform_2(%arg0: i32) -> (i32, i32) {
    %c0_i32 = arith.constant 0 : i32
    %c0_i32_0 = arith.constant 0 : i32
    %c0_i32_1 = arith.constant 0 : i32
    return %c0_i32, %c0_i32_0 : i32, i32
  }
  func.func @transform_3(%arg0: i32) -> (i32, i32) {
    %c0_i32 = arith.constant 0 : i32
    %c0_i32_0 = arith.constant 0 : i32
    %c0_i32_1 = arith.constant 0 : i32
    return %c0_i32, %c0_i32_0 : i32, i32
  }
  func.func @transform_4(%arg0: i32) -> (i32, i32) {
    %c0_i32 = arith.constant 0 : i32
    %c0_i32_0 = arith.constant 0 : i32
    %c0_i32_1 = arith.constant 0 : i32
    return %c0_i32, %c0_i32_0 : i32, i32
  }
  func.func @transform_5(%arg0: i32) -> (i32, i32) {
    %c0_i32 = arith.constant 0 : i32
    %c0_i32_0 = arith.constant 0 : i32
    %c0_i32_1 = arith.constant 0 : i32
    return %c0_i32, %c0_i32_0 : i32, i32
  }
  func.func @transform_6(%arg0: i32) -> (i32, i32) {
    %c0_i32 = arith.constant 0 : i32
    %c0_i32_0 = arith.constant 0 : i32
    %c0_i32_1 = arith.constant 0 : i32
    return %c0_i32, %c0_i32_0 : i32, i32
  }
  func.func @transform_7(%arg0: i32) -> (i32, i32) {
    %c0_i32 = arith.constant 0 : i32
    %c0_i32_0 = arith.constant 0 : i32
    %c0_i32_1 = arith.constant 0 : i32
    return %c0_i32, %c0_i32_0 : i32, i32
  }
  func.func @transform_8(%arg0: i32) -> (i32, i32) {
    %c0_i32 = arith.constant 0 : i32
    %c0_i32_0 = arith.constant 0 : i32
    %c0_i32_1 = arith.constant 0 : i32
    return %c0_i32, %c0_i32_0 : i32, i32
  }
  func.func @transform_9(%arg0: i32) -> (i32, i32) {
    %c0_i32 = arith.constant 0 : i32
    %c0_i32_0 = arith.constant 0 : i32
    %c0_i32_1 = arith.constant 0 : i32
    return %c0_i32, %c0_i32_0 : i32, i32
  }
  func.func @transform_10(%arg0: i32) -> (i32, i32) {
    %c0_i32 = arith.constant 0 : i32
    %c0_i32_0 = arith.constant 0 : i32
    %c0_i32_1 = arith.constant 0 : i32
    return %c0_i32, %c0_i32_0 : i32, i32
  }
}

</mosaic_0001>

<sc_bundles>
// kernel: kernel.5.cloned.1.call-start
scs
__scs_entry_jumppad:
0x0: {  	(pc) =	sbr.rel $0x88, $3  }
0x1: {  	(tag) =	ssettag $0x0;
	lr =	simm.s32 $0x1  }
0x2: {  	[smem:$0x3F95] =	sst lr;
	_ =	strace $0xD0000000  }
0x3: {  	_ = 	snop  }
0x4: {  	_ = 	snop  }
0x5: {  	_ = 	snop  }
0x6: {  	_ = 	snop  }
0x7: {  	_ = 	snop  }
__scs_overlays_trampoline_lowered:
0x8: {  	[smem:$0x3FA4] =	sst s0  }
0x9: {  	[smem:$0x3FA5] =	sst s1  }
0xa: {  	[smem:$0x3FA6] =	sst s2  }
0xb: {  	[smem:$0x3FA7] =	sst s3  }
0xc: {  	[smem:$0x3FA8] =	sst s4  }
0xd: {  	[smem:$0x3FA9] =	sst s5  }
0xe: {  	[smem:$0x3FAA] =	sst s6  }
0xf: {  	[smem:$0x3FAB] =	sst s7  }
0x10: {  	[smem:$0x3FAC] =	sst s8  }
0x11: {  	[smem:$0x3FAD] =	sst s9;
	s0 =	simm.s32 @!p0 $0x0  }
0x12: {  	s1 =	sld [smem:$0x3F93];
	s0 =	simm.s32 @p0 $0x1  }
0x13: {  	[smem:$0x3FAE] =	sst s0;
	s0 =	simm.s32 @!p1 $0x0  }
0x14: {  	s2 =	sld [smem:$0x3F92];
	s0 =	simm.s32 @p1 $0x1  }
0x15: {  	[smem:$0x3FAF] =	sst s0;
	s0 =	simm.s32 @!p2 $0x0  }
0x16: {  	s3 =	sld [smem:$0x3FDB];
	s0 =	simm.s32 @p2 $0x1  }
0x17: {  	s4 =	simm.s32 $0x1BF5;
	[smem:$0x3FB1] =	sst s0  }
0x18: {  	s0 =	sld [smem:$0x3F94];
	_ =	swait.ge [sflag:s4], $0x0  }
0x19: {  	s7 =	sld [smem:$0x3F95]  }
0x1a: {  	s8 =	sadd.s32 $0xFFFFE003, lr  }
0x1b: {  	s9 =	sadd.s32 $0xFFFFFEF7, lr;
	s5 =	simm.s32 $0xFFFFFFFF;
	p2 =	slt.u32 s8, $0xFFFFF086  }
0x1c: {  	p1 =	slt.u32 s9, $0xF7A;
	s5 =	simm.s32 @!p2 $0x0  }
0x1d: {  	s5 =	simm.s32 @p1 $0x1;
	p0 =	seq.s32 s7, s2  }
0x1e: {  	s7 =	smul.u32 @!p0 $0xF7A, s2;
	p2 =	seq.s32 @!p0 s5, $0x0  }
0x1f: {  	s9 =	smul.u32 $0xF7A, s1;
	s8 =	simm.s32 @!p0 $0x1BF5;
	p2 =	por !p2, p0  }
0x20: {  	[sflag:s8] =	ssyncset.s32 @!p0 $0xFFFFF086;
	s6 =	sadd.s32 @!p0 s3, s7;
	s7 =	simm.s32 @!p0 $0x108  }
0x21: {  	s3 =	sadd.s32 s3, s9;
	s6 =	sadd.s32 @!p0 $0x88, s6;
	s7 =	simm.s32 @p2 $0x1082  }
0x22: {  	[simem:s7], [sflag:s8] =	dma.local @!p0 [hbm:s6], $0xF7A  }
0x23: {  	s9 =	sor.u32 $0xD0000000, s2;
	s6 =	simm.s32 $0x108;
	_ =	swait.ge @!p0 [sflag:s8], $0x0  }
0x24: {  	s3 =	sadd.s32 $0x88, s3;
	s6 =	simm.s32 @!p1 $0x1082;
	[sflag:s4] =	ssyncset.s32 $0xFFFFF086  }
0x25: {  	[simem:s6], [sflag:s4] =	dma.local [hbm:s3], $0xF7A  }
0x26: {  	[smem:$0x3F95] =	sst s1;
	(tag) =	ssettag s2;
	_ =	strace s9  }
0x27: {  	s1 =	sld [smem:$0x3FA5]  }
0x28: {  	s2 =	sld [smem:$0x3FA6]  }
0x29: {  	s4 =	sld [smem:$0x3FA8]  }
0x2a: {  	p0 =	seq.s32 s5, $0x0;
	s5 =	sld [smem:$0x3FA9]  }
0x2b: {  	s6 =	sld [smem:$0x3FAA]  }
0x2c: {  	s7 =	sld [smem:$0x3FAB]  }
0x2d: {  	s3 =	simm.s32 $0x108;
	s8 =	sld [smem:$0x3FAC]  }
0x2e: {  	s3 =	simm.s32 @!p0 $0x1082;
	s9 =	sld [smem:$0x3FAD]  }
0x2f: {  	lr =	sadd.s32 s0, s3;
	s0 =	sld [smem:$0x3FA4]  }
0x30: {  	s3 =	sld [smem:$0x3FA7]  }
0x31: {  	[smem:$0x3FB0] =	sst s10  }
0x32: {  	s10 =	sld [smem:$0x3FAE];
	_ =	sdelay $0x3  }
0x33: {  	p0 =	seq.s32 s10, $0x1;
	s10 =	sld [smem:$0x3FB0];
	_ =	sdelay $0x3  }
0x34: {  	[smem:$0x3FB0] =	sst s10  }
0x35: {  	s10 =	sld [smem:$0x3FAF];
	_ =	sdelay $0x3  }
0x36: {  	p1 =	seq.s32 s10, $0x1;
	s10 =	sld [smem:$0x3FB0];
	_ =	sdelay $0x3  }
0x37: {  	[smem:$0x3FB0] =	sst s10  }
0x38: {  	s10 =	sld [smem:$0x3FB1]  }
0x39: {  	_ = 	snop;
	(pc) =	sbr.ind lr, $3  }
0x3a: {  	_ = 	snop  }
0x3b: {  	_ = 	snop  }
0x3c: {  	p2 =	seq.s32 s10, $0x1;
	s10 =	sld [smem:$0x3FB0]  }
0x3d: {  	_ =	shalt  }
0x3e: {  	_ =	shalt  }
0x3f: {  	_ =	shalt  }
0x40: {  	_ =	shalt  }
0x41: {  	_ =	shalt  }
0x42: {  	_ =	shalt  }
0x43: {  	_ =	shalt  }
0x44: {  	_ =	shalt  }
0x45: {  	_ =	shalt  }
0x46: {  	_ =	shalt  }
0x47: {  	_ =	shalt  }
0x48: {  	_ =	shalt  }
0x49: {  	_ =	shalt  }
0x4a: {  	_ =	shalt  }
0x4b: {  	_ =	shalt  }
0x4c: {  	_ =	shalt  }
0x4d: {  	_ =	shalt  }
0x4e: {  	_ =	shalt  }
0x4f: {  	_ =	shalt  }
0x50: {  	_ =	shalt  }
0x51: {  	_ =	shalt  }
0x52: {  	_ =	shalt  }
0x53: {  	_ =	shalt  }
0x54: {  	_ =	shalt  }
0x55: {  	_ =	shalt  }
0x56: {  	_ =	shalt  }
0x57: {  	_ =	shalt  }
0x58: {  	_ =	shalt  }
0x59: {  	_ =	shalt  }
0x5a: {  	_ =	shalt  }
0x5b: {  	_ =	shalt  }
0x5c: {  	_ =	shalt  }
0x5d: {  	_ =	shalt  }
0x5e: {  	_ =	shalt  }
0x5f: {  	_ =	shalt  }
0x60: {  	_ =	shalt  }
0x61: {  	_ =	shalt  }
0x62: {  	_ =	shalt  }
0x63: {  	_ =	shalt  }
0x64: {  	_ =	shalt  }
0x65: {  	_ =	shalt  }
0x66: {  	_ =	shalt  }
0x67: {  	_ =	shalt  }
0x68: {  	_ =	shalt  }
0x69: {  	_ =	shalt  }
0x6a: {  	_ =	shalt  }
0x6b: {  	_ =	shalt  }
0x6c: {  	_ =	shalt  }
0x6d: {  	_ =	shalt  }
0x6e: {  	_ =	shalt  }
0x6f: {  	_ =	shalt  }
0x70: {  	_ =	shalt  }
0x71: {  	_ =	shalt  }
0x72: {  	_ =	shalt  }
0x73: {  	_ =	shalt  }
0x74: {  	_ =	shalt  }
0x75: {  	_ =	shalt  }
0x76: {  	_ =	shalt  }
0x77: {  	_ =	shalt  }
0x78: {  	_ =	shalt  }
0x79: {  	_ =	shalt  }
0x7a: {  	_ =	shalt  }
0x7b: {  	_ =	shalt  }
0x7c: {  	_ =	shalt  }
0x7d: {  	_ =	shalt  }
0x7e: {  	_ =	shalt  }
0x7f: {  	_ =	shalt  }
0x80: {  	_ =	shalt  }
0x81: {  	_ =	shalt  }
0x82: {  	_ =	shalt  }
0x83: {  	_ =	shalt  }
0x84: {  	_ =	shalt  }
0x85: {  	_ =	shalt  }
0x86: {  	_ =	shalt  }
0x87: {  	_ =	shalt  }
.Lfunc_end0:
.L_simem_size_0:
called_computation_lowered:
.L_overlay_start_0:
0x88: {  	s2 =	sld [smem:$0x3FD9]  }
0x89: {  	s3 =	sld [smem:$0x3FFE];
	_ =	sdelay $0x1  }
0x8a: {  	s1 =	srdreg.scid  }
0x8b: {  	s0 =	sand.u32 $0x1, s1  }
0x8c: {  	s16 =	sshll.u32 s0, $0xA;
	s2 =	sadd.s32 s3, s2  }
0x8d: {  	s2 =	sadd.s32 s2, s16  }
0x8e: {  	[smem:$0x3FBC] =	sst s2  }
0x8f: {  	_ = 	snop  }
0x90: {  	(tm) =	ssettm $0x1  }
0x91: {  	s17 =	sld [smem:$0x3FFB];
	_ =	sdelay $0x3  }
0x92: {  	_ =	strace s17  }
0x93: {  	s2 =	sld [smem:$0x3FFC];
	_ =	sdelay $0x3  }
0x94: {  	_ =	strace s2  }
0x95: {  	s2 =	sld [smem:$0x3FFD];
	_ =	sdelay $0x3  }
0x96: {  	_ =	strace s2  }
0x97: {  	_ =	strace $0x8FFFFFFF  }
0x98: {  	s18 =	sld [smem:$0x3FDB];
	_ =	sdelay $0x1  }
0x99: {  	s19 =	simm.s32 $_scs_section_size  }
0x9a: {  	s4 =	simm.s32 $_size__tile_overlayer_lowered;
	s5 =	simm.s32 $_tile_overlayer_lowered  }
0x9b: {  	s22 =	simm.s32 $0x1BFF;
	s21 =	sshll.u32 s5, $0x1;
	s2 =	sadd.s32 s19, s18  }
0x9c: {  	s6 =	simm.s32 $0x0;
	s20 =	sshll.u32 s4, $0x1;
	s4 =	sadd.s32 s21, s2  }
0x9d: {  	[timem:s6], [sflag:s22] =	dma.local [hbm:s4], s20  }
0x9e: {  	_ =	swait.ge [sflag:s22], s20  }
0x9f: {  	s3 =	ssub.s32 $0x0, s20;
	[sflag:s22] =	ssyncset.done $0x0  }
0xa0: {  	[sflag:s22] =	ssyncadd.s32 s3;
	_ =	sdelay $0x1  }
0xa1: {  	s23 =	simm.s32 $0x1B8B  }
0xa2: {  	_ =	swait.ge [sflag:s23], $0x1  }
0xa3: {  	[sflag:s23] =	ssyncset.done $0x0  }
0xa4: {  	s25 =	simm.s32 $0x1B8E;
	s24 =	sld [smem:$0x3FFE];
	[sflag:s23] =	ssyncadd.s32 $0xFFFFFFFF  }
0xa5: {  	s26 =	simm.s32 $execute0_lowered;
	[smem:$0x3FD2] =	sst s25  }
0xa6: {  	s4 =	sshll.u32 s26, $0x1;
	_ =	strace $0x80000046;
	[dreg:$0x1] =	wrdreg $0xFFFFFFFF  }
0xa7: {  	s28 =	simm.s32 $_size_execute0_lowered;
	s2 =	sadd.s32 s2, s4;
	[dreg:$0x0] =	wrdreg $0x0  }
0xa8: {  	s4 =	sshll.u32 s28, $0x1;
	[dreg:$0x2] =	wrdreg s2  }
0xa9: {  	[dreg:$0x3] =	wrdreg s4  }
0xaa: {  	[dreg:$0x4] =	wrdreg $0xC0  }
0xab: {  	_ =	task [dreg:s6], $0x5FFFF  }
0xac: {  	[dreg:$0x1] =	wrdreg $0xFFFFFFFF  }
0xad: {  	[dreg:$0x0] =	wrdreg $0x60  }
0xae: {  	[dreg:$0x2] =	wrdreg s24  }
0xaf: {  	[dreg:$0x3] =	wrdreg $0x0  }
0xb0: {  	[dreg:$0x4] =	wrdreg $0x9  }
0xb1: {  	_ =	task.clear_ibuf [dreg:s6], $0x5FFFF;
	_ =	strace $0x90000046  }
0xb2: {  	s29 =	simm.s32 $0x9;
	_ =	strace $0x80000048  }
0xb3: {  	_ =	swait.ge [sflag:s29], $0x1  }
0xb4: {  	[sflag:s29] =	ssyncadd.s32 $0xFFFFFFFF  }
0xb5: {  	_ =	strace $0x90000048  }
0xb6: {  	_ =	sfence  }
0xb7: {  	s30 =	sld [smem:$0x0];
	_ =	sdelay $0x2  }
0xb8: {  	s31 =	sshll.u32 s1, $0xD;
	s1 =	sshrl.u32 s1, $0x2  }
0xb9: {  	s3 =	sand.u32 $0x4000, s31;
	s1 =	sadd.s32 s1, s30  }
0xba: {  	s0 =	sor.u32 s3, s0;
	s1 =	sshll.u32 s1, $0x11  }
0xbb: {  	s0 =	sor.u32 s1, s0  }
0xbc: {  	s0 =	sadd.s32 $0x8F2B, s0  }
0xbd: {  	[sflag:s0] =	ssyncadd.remote.s32 $0x1  }
0xbe: {  	_ =	sfence.sel $0xFFFF  }
0xbf: {  	[dreg:$0x0] =	wrdreg $0xFFFFFFFF;
	(pc) =	sbr.abs _section_cstart, $3  }
0xc0: {  	[dreg:$0x1] =	wrdreg $0xFFFFFFFF  }
0xc1: {  	_ =	task.clear_ibuf [dreg:s6], $0x2FFFF;
	_ =	strace $0x9FFFFFFF  }
0xc2: {  	(tm) =	ssettm $0x7FFFFFFF  }
0xc3: {  	_ =	shalt  }
tec
execute0_lowered:
.L_overlay_start_1:
0x0: {  	(tag) =	ssettag $0x1  }
0x1: {  	s0 =	rddreg [dreg:$0x0]  }
0x2: {  	s2 =	rddreg [dreg:$0x1];
	s1 =	srdreg.scid  }
0x3: {  	s13 =	stileid.u32;
	s3 =	simm.s32 $0x0;
	s16 =	simm.s32 $0x4  }
0x4: {  	s18 =	simm.s32 $0x14000;
	s19 =	simm.s32 $0x16800;
	s20 =	simm.s32 $0x19000  }
0x5: {  	s28 =	simm.s32 $0x1F500;
	s29 =	simm.s32 $0x1F580;
	s30 =	simm.s32 $0x1F600  }
0x6: {  	s31 =	simm.s32 $0x0;
	s1 =	sand.u32 $0x1, s1;
	s21 =	smul.u32 $0x14000, s13  }
0x7: {  	[smem:$0x7FF] =	sst s3;
	s11 =	sadd.s32 $0x9C5600, s0;
	s8 =	smul.u32 $0x50000, s13  }
0x8: {  	s23 =	sshll.u32 s13, $0x6;
	s4 =	sshll.u32 s1, $0x4;
	s5 =	smul.u32 $0x140000, s1  }
0x9: {  	_ =	strace $0x80000047;
	s22 =	ssub.s32 $0x2, s1;
	s1 =	smul.u32 $0x271000, s1  }
0xa: {  	s6 =	sor.u32 s13, s4;
	s9 =	sshrl.u32 s22, $0x1;
	s13 =	smul.u32 $0x27100, s13  }
0xb: {  	s8 =	sshrl.u32 s8, $0x2;
	s7 =	smul.u32 $0x7D0, s6;
	s4 =	sadd.s32 s21, s5  }
0xc: {  	s10 =	smul.u32 $0x138800, s6;
	s12 =	ssub.s32 s22, s9;
	s14 =	sadd.s32 s8, s2  }
0xd: {  	s24 =	smul.u32 $0x27100, s6;
	s26 =	sadd.s32 s1, s11;
	s21 =	simm.s32 $0x1  }
0xe: {  	s22 =	simm.s32 $0x50;
	s5 =	sshrl.u32 s4, $0x3;
	s4 =	sadd.s32 $0x11000, s0  }
0xf: {  	s15 =	sshrl.u32 s14, $0x3;
	s7 =	sadd.s32 s7, s0;
	s0 =	sadd.s32 s5, s0  }
0x10: {  	s5 =	sor.u32 $0x1C04, s23;
	s25 =	sshrl.u32 s10, $0x3;
	s23 =	simm.s32 $0x2  }
0x11: {  	s6 =	sadd.s32 $0x1600, s7;
	s9 =	sadd.s32 s11, s25;
	s7 =	sadd.s32 s11, s24  }
0x12: {  	s10 =	sadd.s32 $0x13800, s0;
	s11 =	smax.u32 s12, $0x1;
	s0 =	sadd.s32 s13, s26  }
0x13: {  	s24 =	simm.s32 $0x3;
	s8 =	sadd.s32 $0x500, s9;
	s9 =	sadd.s32 $0xA00, s9  }
0x14: {  	s12 =	sadd.s32 $0x26700, s7;
	s13 =	sadd.s32 $0x26C00, s7;
	s17 =	sadd.s32 $0x1900, s0  }
.LBB2_1:
0x15: {  	[spmem:s15], [sflag:s5] =	dma.local [hbm:s4], $0x2800  }
0x16: {  	_ =	swait.ge [sflag:s16], $0x2800  }
0x17: {  	[sflag:s16] =	ssyncset.done $0x0  }
0x18: {  	s0 =	simm.s32 $0x1B800;
	[sflag:s16] =	ssyncadd.s32 $0xFFFFD800  }
0x19: {  	[tilespmem:s0], [sflag:$0x4] =	stream.linear.gather [hbm4b:s6+s3], $0x3E80, $0x38;
	[tilespmem:$0x1F680] =	vst v63  }
0x1a: {  	_ =	swait.ge [sflag:s16], $0x3E80  }
0x1b: {  	[sflag:s16] =	ssyncset.done $0x0  }
0x1c: {  	[sflag:s16] =	ssyncadd.s32 $0xFFFFC180  }
0x1d: {  	[bflag:$0x0] =	sbarrier.arrive $0xFFFF  }
0x1e: {  	[tilespmem:s18], [sflag:$0x1] =	stream.linear.gather [hbm4b:s7+s3], $0x2800, $0x38;
	[tilespmem:$0x1F680] =	vst v63  }
0x1f: {  	_ = 	snop  }
0x20: {  	[tilespmem:s19], [sflag:$0x2] =	stream.linear.gather [hbm4b:s8+s3], $0x2800, $0x38;
	[tilespmem:$0x1F680] =	vst v63  }
0x21: {  	_ = 	snop  }
0x22: {  	[tilespmem:s20], [sflag:$0x3] =	stream.linear.gather [hbm4b:s9+s3], $0x2800, $0x38;
	[tilespmem:$0x1F680] =	vst v63  }
0x23: {  	_ =	swait.ge [sflag:s21], $0x2800  }
0x24: {  	[sflag:s21] =	ssyncset.done $0x0  }
0x25: {  	s26 =	simm.s32 $0x1B800;
	[sflag:s21] =	ssyncadd.s32 $0xFFFFD800  }
0x26: {  	[spmem:s2] =	stream.indirect.scatter.add.f32 [tilespmem:s18], [sflag:$0x4], $0x80, s26, s22, $0xb8;
	[tilespmem:$0x1F680] =	vst v63  }
0x27: {  	_ =	swait.ge [sflag:s16], $0x2800  }
0x28: {  	[sflag:s16] =	ssyncset.done $0x0  }
0x29: {  	s1 =	sadd.s32 $0xFFFFF600, s17;
	[sflag:s16] =	ssyncadd.s32 $0xFFFFD800  }
0x2a: {  	[tilespmem:s18], [sflag:$0x1] =	stream.linear.gather [hbm4b:s1+s3], $0x2800, $0x38;
	[tilespmem:$0x1F680] =	vst v63  }
0x2b: {  	_ =	swait.ge [sflag:s23], $0x2800  }
0x2c: {  	[sflag:s23] =	ssyncset.done $0x0  }
0x2d: {  	s14 =	simm.s32 $0x1B880;
	[sflag:s23] =	ssyncadd.s32 $0xFFFFD800  }
0x2e: {  	[spmem:s2] =	stream.indirect.scatter.add.f32 [tilespmem:s19], [sflag:$0x4], $0x80, s14, s22, $0xb8;
	[tilespmem:$0x1F680] =	vst v63  }
0x2f: {  	_ =	swait.ge [sflag:s16], $0x2800  }
0x30: {  	[sflag:s16] =	ssyncset.done $0x0  }
0x31: {  	s25 =	sadd.s32 $0xFFFFFB00, s17;
	[sflag:s16] =	ssyncadd.s32 $0xFFFFD800  }
0x32: {  	[tilespmem:s19], [sflag:$0x2] =	stream.linear.gather [hbm4b:s25+s3], $0x2800, $0x38;
	[tilespmem:$0x1F680] =	vst v63  }
0x33: {  	_ =	swait.ge [sflag:s24], $0x2800  }
0x34: {  	[sflag:s24] =	ssyncset.done $0x0  }
0x35: {  	s26 =	simm.s32 $0x1B900;
	[sflag:s24] =	ssyncadd.s32 $0xFFFFD800  }
0x36: {  	[spmem:s2] =	stream.indirect.scatter.add.f32 [tilespmem:s20], [sflag:$0x4], $0x80, s26, s22, $0xb8;
	[tilespmem:$0x1F680] =	vst v63  }
0x37: {  	_ =	swait.ge [sflag:s16], $0x2800  }
0x38: {  	s0 =	simm.s32 $0x600;
	[sflag:s16] =	ssyncset.done $0x0  }
0x39: {  	s1 =	sadd.s32 $0xF00, s17;
	s14 =	smov.u32 s17;
	[sflag:s16] =	ssyncadd.s32 $0xFFFFD800  }
.LBB2_2:
0x3a: {  	[tilespmem:s20], [sflag:$0x3] =	stream.linear.gather [hbm4b:s14+s3], $0x2800, $0x38;
	[tilespmem:$0x1F680] =	vst v63  }
0x3b: {  	s25 =	smov.u32 s0;
	s14 =	smov.u32 s1  }
0x3c: {  	p0 =	sne.s32 s0, $0xEA00;
	s0 =	sadd.s32 $0x600, s0;
	_ =	swait.ge [sflag:s21], $0x2800  }
0x3d: {  	s25 =	sshra.s32 s25, $0x2;
	[sflag:s21] =	ssyncset.done $0x0  }
0x3e: {  	s26 =	sadd.s32 $0x1B800, s25;
	[sflag:s21] =	ssyncadd.s32 $0xFFFFD800  }
0x3f: {  	[spmem:s2] =	stream.indirect.scatter.add.f32 [tilespmem:s18], [sflag:$0x4], $0x80, s26, s22, $0xb8;
	[tilespmem:$0x1F680] =	vst v63  }
0x40: {  	_ =	swait.ge [sflag:s16], $0x2800  }
0x41: {  	[sflag:s16] =	ssyncset.done $0x0  }
0x42: {  	s26 =	sadd.s32 $0xFFFFF600, s1;
	[sflag:s16] =	ssyncadd.s32 $0xFFFFD800  }
0x43: {  	[tilespmem:s18], [sflag:$0x1] =	stream.linear.gather [hbm4b:s26+s3], $0x2800, $0x38;
	[tilespmem:$0x1F680] =	vst v63  }
0x44: {  	_ =	swait.ge [sflag:s23], $0x2800  }
0x45: {  	[sflag:s23] =	ssyncset.done $0x0  }
0x46: {  	s26 =	sadd.s32 $0x1B880, s25;
	[sflag:s23] =	ssyncadd.s32 $0xFFFFD800  }
0x47: {  	[spmem:s2] =	stream.indirect.scatter.add.f32 [tilespmem:s19], [sflag:$0x4], $0x80, s26, s22, $0xb8;
	[tilespmem:$0x1F680] =	vst v63  }
0x48: {  	_ =	swait.ge [sflag:s16], $0x2800  }
0x49: {  	[sflag:s16] =	ssyncset.done $0x0  }
0x4a: {  	s26 =	sadd.s32 $0xFFFFFB00, s1;
	[sflag:s16] =	ssyncadd.s32 $0xFFFFD800  }
0x4b: {  	[tilespmem:s19], [sflag:$0x2] =	stream.linear.gather [hbm4b:s26+s3], $0x2800, $0x38;
	[tilespmem:$0x1F680] =	vst v63  }
0x4c: {  	_ =	swait.ge [sflag:s24], $0x2800  }
0x4d: {  	[sflag:s24] =	ssyncset.done $0x0  }
.Ltmp0:
0x4e: {  	s25 =	sadd.s32 $0x1B900, s25;
	[sflag:s24] =	ssyncadd.s32 $0xFFFFD800;
	(pc) =	sbr.rel @p0 .LBB2_2-.Ltmp0, $4  }
0x4f: {  	[spmem:s2] =	stream.indirect.scatter.add.f32 [tilespmem:s20], [sflag:$0x4], $0x80, s25, s22, $0xb8;
	[tilespmem:$0x1F680] =	vst v63  }
0x50: {  	_ =	swait.ge [sflag:s16], $0x2800  }
0x51: {  	[sflag:s16] =	ssyncset.done $0x0  }
0x52: {  	s1 =	sadd.s32 $0xF00, s1;
	[sflag:s16] =	ssyncadd.s32 $0xFFFFD800  }
0x53: {  	[tilespmem:s20], [sflag:$0x3] =	stream.linear.gather [hbm4b:s14+s3], $0x2800, $0x38;
	[tilespmem:$0x1F680] =	vst v63  }
0x54: {  	_ =	swait.ge [sflag:s21], $0x2800  }
0x55: {  	[sflag:s21] =	ssyncset.done $0x0  }
0x56: {  	s0 =	simm.s32 $0x1F400;
	[sflag:s21] =	ssyncadd.s32 $0xFFFFD800  }
0x57: {  	[spmem:s2] =	stream.indirect.scatter.add.f32 [tilespmem:s18], [sflag:$0x4], $0x80, s0, s22, $0xb8;
	[tilespmem:$0x1F680] =	vst v63  }
0x58: {  	_ =	swait.ge [sflag:s16], $0x2800  }
0x59: {  	[sflag:s16] =	ssyncset.done $0x0  }
0x5a: {  	[sflag:s16] =	ssyncadd.s32 $0xFFFFD800  }
0x5b: {  	[tilespmem:s18], [sflag:$0x1] =	stream.linear.gather [hbm4b:s12+s3], $0x2800, $0x38;
	[tilespmem:$0x1F680] =	vst v63  }
0x5c: {  	_ =	swait.ge [sflag:s23], $0x2800  }
0x5d: {  	[sflag:s23] =	ssyncset.done $0x0  }
0x5e: {  	s26 =	simm.s32 $0x1F480;
	[sflag:s23] =	ssyncadd.s32 $0xFFFFD800  }
0x5f: {  	[spmem:s2] =	stream.indirect.scatter.add.f32 [tilespmem:s19], [sflag:$0x4], $0x80, s26, s22, $0xb8;
	[tilespmem:$0x1F680] =	vst v63  }
0x60: {  	_ =	swait.ge [sflag:s16], $0x2800  }
0x61: {  	[sflag:s16] =	ssyncset.done $0x0  }
0x62: {  	[sflag:s16] =	ssyncadd.s32 $0xFFFFD800  }
0x63: {  	[tilespmem:s19], [sflag:$0x2] =	stream.linear.gather [hbm4b:s13+s3], $0x2800, $0x38;
	[tilespmem:$0x1F680] =	vst v63  }
0x64: {  	_ =	swait.ge [sflag:s24], $0x2800  }
0x65: {  	[sflag:s24] =	ssyncset.done $0x0  }
0x66: {  	[sflag:s24] =	ssyncadd.s32 $0xFFFFD800  }
0x67: {  	[spmem:s2] =	stream.indirect.scatter.add.f32 [tilespmem:s20], [sflag:$0x4], $0x80, s28, s22, $0xb8;
	[tilespmem:$0x1F680] =	vst v63  }
0x68: {  	_ =	swait.ge [sflag:s16], $0x2800  }
0x69: {  	[sflag:s16] =	ssyncset.done $0x0  }
0x6a: {  	[sflag:s16] =	ssyncadd.s32 $0xFFFFD800  }
0x6b: {  	_ =	swait.ge [sflag:s21], $0x2800  }
0x6c: {  	[sflag:s21] =	ssyncset.done $0x0  }
0x6d: {  	[sflag:s21] =	ssyncadd.s32 $0xFFFFD800  }
0x6e: {  	[spmem:s2] =	stream.indirect.scatter.add.f32 [tilespmem:s18], [sflag:$0x4], $0x80, s29, s22, $0xb8;
	[tilespmem:$0x1F680] =	vst v63  }
0x6f: {  	_ =	swait.ge [sflag:s16], $0x2800  }
0x70: {  	[sflag:s16] =	ssyncset.done $0x0  }
0x71: {  	[sflag:s16] =	ssyncadd.s32 $0xFFFFD800  }
0x72: {  	_ =	swait.ge [sflag:s23], $0x2800  }
0x73: {  	[sflag:s23] =	ssyncset.done $0x0  }
0x74: {  	[sflag:s23] =	ssyncadd.s32 $0xFFFFD800  }
0x75: {  	[spmem:s2] =	stream.indirect.scatter.add.f32 [tilespmem:s19], [sflag:$0x4], $0x80, s30, s22, $0xb8;
	[tilespmem:$0x1F680] =	vst v63  }
0x76: {  	_ =	swait.ge [sflag:s16], $0x2800  }
0x77: {  	s31 =	sadd.s32 $0x1, s31;
	[sflag:s16] =	ssyncset.done $0x0  }
0x78: {  	p0 =	sne.s32 s31, s11;
	[sflag:s16] =	ssyncadd.s32 $0xFFFFD800  }
.Ltmp1:
0x79: {  	[bflag:$0x0] =	sbarrier.arrive $0xFFFF;
	(pc) =	sbr.rel @p0 .LBB2_1-.Ltmp1, $4  }
0x7a: {  	[hbm:s10], [sflag:s5] =	dma.local [spmem:s15], $0x2800  }
0x7b: {  	_ =	swait.ge [sflag:s16], $0x2800  }
0x7c: {  	[sflag:s16] =	ssyncset.done $0x0  }
0x7d: {  	[sflag:s16] =	ssyncadd.s32 $0xFFFFD800  }
0x7e: {  	_ =	sfence.sel $0x180000  }
0x7f: {  	[bflag:$0x0] =	sbarrier.arrive $0xFFFF  }
0x80: {  	_ =	strace $0x90000047  }
0x81: {  	s0 =	stileid.u32;
	[bflag:$0x2] =	sbarrier.arrive $0xFFFF  }
0x82: {  	p0 =	sne.s32 s0, $0x0;
	s0 =	rddreg [dreg:$0x2]  }
0x83: {  	s0 =	sadd.s32 @!p0 $0x100000, s0  }
0x84: {  	[sflag:s0] =	ssyncadd.tile.s32 @!p0 $0x1;
	_ =	shalt  }
.Lfunc_end2:
_tile_overlayer_lowered:
.L_overlay_start_2:
0x85: {  	(tag) =	ssettag $0x2  }
0x86: {  	s0 =	rddreg [dreg:$0x0];
	s2 =	stileid.u32  }
0x87: {  	s1 =	rddreg [dreg:$0x1];
	p0 =	sne.s32 s2, $0x0  }
0x88: {  	s3 =	rddreg [dreg:$0x2];
	[bflag:$0x3] =	sbarrier.arrive $0xFFFF;
	s2 =	simm.s32 @!p0 $0x1C04  }
0x89: {  	[timem:s3], [sflag:s2] =	dma.local @!p0 [hbm:s0], s1  }
0x8a: {  	s0 =	simm.s32 @!p0 $0x4  }
0x8b: {  	_ =	swait.ge @!p0 [sflag:s0], s1  }
0x8c: {  	s1 =	ssub.s32 @!p0 $0x0, s1;
	[sflag:s0] =	ssyncset.done @!p0 $0x0  }
0x8d: {  	[sflag:s0] =	ssyncadd.s32 @!p0 s1  }
0x8e: {  	[bflag:$0x3] =	sbarrier.arrive $0xFFFF  }
0x8f: {  	_ =	shalt  }

</sc_bundles>
